<compile_context>
chip_gen: v7x
topology: tpu7x:2x2x1
jax: 0.10.2.dev20260603
libtpu: 0.0.44.dev20260713+nightly
codegen_flags: <defaults>
</compile_context>

<pallas_src>
import functools

import jax
import jax.numpy as jnp
from jax import lax
from jax.experimental import pallas as pl
from jax.experimental.pallas import tpu as pltpu
from jax.experimental.pallas import tpu_sc as plsc

VOCAB = 1000
CMAIN = 896
CTAIL = VOCAB - CMAIN
NPOS = 1024 * 50
NW = 32
PER_W = NPOS // NW
CHUNK = 16
NCHUNK = PER_W // CHUNK
NBUF = 5
NGRP = NCHUNK // NBUF
LGRP = 128
NLG = PER_W // LGRP
LTAIL = PER_W - NLG * LGRP


def _lse_table_tc(table):
    def body(t_ref, o_ref):
        x = t_ref[...]
        m = jnp.max(x, axis=1)
        s = jnp.sum(jnp.exp(x - m[:, None]), axis=1)
        o_ref[...] = jnp.log(s) + m

    return pl.pallas_call(
        body,
        out_shape=jax.ShapeDtypeStruct((VOCAB,), jnp.float32),
    )(table)


def _sc_loss(table_flat, lse, idx, tgt):
    mesh = plsc.VectorSubcoreMesh(core_axis_name="c", subcore_axis_name="s")

    @functools.partial(
        pl.kernel,
        mesh=mesh,
        compiler_params=pltpu.CompilerParams(use_tc_tiling_on_sc=False),
        out_type=jax.ShapeDtypeStruct((NW * 16,), jnp.float32),
        scratch_types=[
            pltpu.VMEM((PER_W,), jnp.int32),
            pltpu.VMEM((PER_W,), jnp.int32),
            pltpu.VMEM((PER_W,), jnp.int32),
            pltpu.VMEM((PER_W,), jnp.float32),
            pltpu.VMEM((PER_W,), jnp.float32),
            pltpu.VMEM((16,), jnp.float32),
            pltpu.SemaphoreType.DMA,
            pltpu.SemaphoreType.DMA,
        ],
    )
    def k(tablef_hbm, lse_hbm, idx_hbm, tgt_hbm, part_hbm,
          idx_v, tgt_v, fidx_v, pick_v, lsev_v, acc_v, semp, seml):
        wid = lax.axis_index("s") * 2 + lax.axis_index("c")
        base0 = wid * PER_W
        pltpu.sync_copy(idx_hbm.at[pl.ds(base0, PER_W)], idx_v)
        pltpu.sync_copy(tgt_hbm.at[pl.ds(base0, PER_W)], tgt_v)

        def fbody(j, c):
            off = j * 64
            for u in range(4):
                o = pl.ds(off + u * 16, 16)
                fidx_v[o] = idx_v[o] * VOCAB + tgt_v[o]
            return c
        lax.fori_loop(0, PER_W // 64, fbody, 0)

        def lfire(off, n):
            pltpu.async_copy(tablef_hbm.at[fidx_v.at[pl.ds(off, n)]],
                             pick_v.at[pl.ds(off, n)], semp)
            pltpu.async_copy(lse_hbm.at[idx_v.at[pl.ds(off, n)]],
                             lsev_v.at[pl.ds(off, n)], seml)

        def lfireb(j, c):
            lfire(j * LGRP, LGRP)
            return c
        lax.fori_loop(0, NLG, lfireb, 0)
        lfire(NLG * LGRP, LTAIL)

        def ldrain(off, n):
            pltpu.make_async_copy(tablef_hbm.at[pl.ds(0, n)],
                                  pick_v.at[pl.ds(off, n)], semp).wait()
            pltpu.make_async_copy(lse_hbm.at[pl.ds(0, n)],
                                  lsev_v.at[pl.ds(off, n)], seml).wait()

        def ldrainb(j, c):
            ldrain(j * LGRP, LGRP)
            return c
        lax.fori_loop(0, NLG, ldrainb, 0)
        ldrain(NLG * LGRP, LTAIL)

        acc_v[...] = jnp.zeros((16,), jnp.float32)

        def abody(j, c):
            off = j * 64
            for u in range(4):
                o = pl.ds(off + u * 16, 16)
                acc_v[...] = acc_v[...] + (lsev_v[o] - pick_v[o])
            return c
        lax.fori_loop(0, PER_W // 64, abody, 0)
        pltpu.sync_copy(acc_v, part_hbm.at[pl.ds(wid * 16, 16)])

    return k(table_flat, lse, idx, tgt)


def _sc_gather(table_a, table_b, idx):
    mesh = plsc.VectorSubcoreMesh(core_axis_name="c", subcore_axis_name="s")

    @functools.partial(
        pl.kernel,
        mesh=mesh,
        out_type=[
            jax.ShapeDtypeStruct((NPOS, VOCAB), jnp.float32),
            jax.ShapeDtypeStruct((NPOS, 128), jnp.float32),
        ],
        scratch_types=[
            pltpu.VMEM((PER_W,), jnp.int32),
            pltpu.VMEM((CHUNK, CMAIN), jnp.float32),
            pltpu.VMEM((CHUNK, CMAIN), jnp.float32),
            pltpu.VMEM((CHUNK, CMAIN), jnp.float32),
            pltpu.VMEM((CHUNK, CMAIN), jnp.float32),
            pltpu.VMEM((CHUNK, CMAIN), jnp.float32),
            pltpu.VMEM((CHUNK, 128), jnp.float32),
            pltpu.VMEM((CHUNK, 128), jnp.float32),
            pltpu.VMEM((CHUNK, 128), jnp.float32),
            pltpu.VMEM((CHUNK, 128), jnp.float32),
            pltpu.VMEM((CHUNK, 128), jnp.float32),
            pltpu.SemaphoreType.DMA,
            pltpu.SemaphoreType.DMA,
            pltpu.SemaphoreType.DMA,
            pltpu.SemaphoreType.DMA,
            pltpu.SemaphoreType.DMA,
            pltpu.SemaphoreType.DMA,
            pltpu.SemaphoreType.DMA,
            pltpu.SemaphoreType.DMA,
            pltpu.SemaphoreType.DMA,
            pltpu.SemaphoreType.DMA,
        ],
    )
    def k(ta_hbm, tb_hbm, idx_hbm, out_hbm, tail_hbm,
          idx_v, ra0, ra1, ra2, ra3, ra4, rb0, rb1, rb2, rb3, rb4,
          sg0, sg1, sg2, sg3, sg4, ss0, ss1, ss2, ss3, ss4):
        abufs = [ra0, ra1, ra2, ra3, ra4]
        bbufs = [rb0, rb1, rb2, rb3, rb4]
        gsems = [sg0, sg1, sg2, sg3, sg4]
        ssems = [ss0, ss1, ss2, ss3, ss4]
        wid = lax.axis_index("s") * 2 + lax.axis_index("c")
        base0 = wid * PER_W
        pltpu.sync_copy(idx_hbm.at[pl.ds(base0, PER_W)], idx_v)

        def gstart(c, b):
            ids = idx_v.at[pl.ds(c * CHUNK, CHUNK)]
            pltpu.async_copy(ta_hbm.at[ids], abufs[b], gsems[b])
            pltpu.async_copy(tb_hbm.at[ids], bbufs[b], gsems[b])

        def gwait(b):
            pltpu.make_async_copy(ta_hbm.at[pl.ds(0, CHUNK)],
                                  abufs[b], gsems[b]).wait()
            pltpu.make_async_copy(tb_hbm.at[pl.ds(0, CHUNK)],
                                  bbufs[b], gsems[b]).wait()

        def sstart(c, b):
            rows = pl.ds(base0 + c * CHUNK, CHUNK)
            pltpu.async_copy(abufs[b],
                             out_hbm.at[rows, pl.ds(0, CMAIN)], ssems[b])
            pltpu.async_copy(bbufs[b], tail_hbm.at[rows], ssems[b])

        def swait(b):
            pltpu.make_async_copy(abufs[b],
                                  out_hbm.at[pl.ds(0, CHUNK), pl.ds(0, CMAIN)],
                                  ssems[b]).wait()
            pltpu.make_async_copy(bbufs[b],
                                  tail_hbm.at[pl.ds(0, CHUNK)], ssems[b]).wait()

        gstart(0, 0)
        gstart(1, 1)

        def obody(q, carry):
            for b in range(NBUF):
                c = q * NBUF + b
                gwait(b)
                sstart(c, b)
                nb = (b + 2) % NBUF

                @pl.when(c >= NBUF - 2)
                def _():
                    swait(nb)

                @pl.when(c + 2 < NCHUNK)
                def _():
                    gstart(c + 2, nb)
            return carry

        lax.fori_loop(0, NGRP, obody, 0)
        for t in range(NBUF - 2, 0, -1):
            swait((NCHUNK - t) % NBUF)

    return k(table_a, table_b, idx)


def kernel(idxs, targets, table):
    idx = idxs.reshape(-1).astype(jnp.int32)
    tgt = targets.reshape(-1).astype(jnp.int32)
    table = table.astype(jnp.float32)
    lse = _lse_table_tc(table)
    table_flat = jnp.pad(table.reshape(-1), (0, 8))
    table_a = table[:, :CMAIN]
    table_b = jnp.pad(table[:, CMAIN:], ((0, 0), (0, 128 - CTAIL)))
    part = _sc_loss(table_flat, lse, idx, tgt)
    sc_out, tail = _sc_gather(table_a, table_b, idx)
    out = lax.dynamic_update_slice(sc_out, tail[:, :CTAIL], (0, CMAIN))
    loss = jnp.sum(part) / NPOS
    return (out, loss)

# --- scband reference (transcript-rebuilt; emitter-appended) ---
"""Pipeline reference for scband-bigram-model-738734375548 (READ-ONLY COPY).

The authoritative reference and input builder live on the scoring server;
editing this copy changes nothing except your own understanding.
"""

import jax, jax.numpy as jnp
import numpy as np

VOCAB = 1000
B = 1024
T = 50

def setup_inputs(seed: int = 0) -> dict:
    key = jax.random.key(seed)
    k1, k2, k3 = jax.random.split(key, 3)
    idxs = jax.random.randint(k1, (B, T), 0, VOCAB, dtype=jnp.int64 if jax.config.jax_enable_x64 else jnp.int32)
    targets = jax.random.randint(k2, (B, T), 0, VOCAB, dtype=jnp.int64 if jax.config.jax_enable_x64 else jnp.int32)
    table = jax.random.normal(k3, (VOCAB, VOCAB), dtype=jnp.float32)
    return {"idxs": idxs, "targets": targets, "table": table}

def reference(idxs, targets, table):
    # logits = token_embedding_table(idxs)
    logits = jnp.take(table, idxs, axis=0)  # [B, T, C]
    Bsz, Tlen, C = logits.shape
    logits2d = logits.reshape(Bsz * Tlen, C)
    tgt = targets.reshape(Bsz * Tlen)
    # F.cross_entropy: mean over all positions of (logsumexp - logit_at_target)
    lse = jax.nn.logsumexp(logits2d, axis=-1)
    picked = jnp.take_along_axis(logits2d, tgt[:, None], axis=1)[:, 0]
    loss = jnp.mean(lse - picked)
    return (logits2d, loss)

if __name__ == "__main__":
    import jax
    _d = setup_inputs()
    print(jax.jit(kernel)(*tuple(_d.values())))

</pallas_src>

<mosaic_0001>
#map = affine_map<(d0, d1) -> (0, 0)>
#map1 = affine_map<(d0, d1) -> (0)>
module attributes {stable_mosaic.version = 14 : i64} {
  func.func @k(%arg0: i32, %arg1: i32, %arg2: memref<1000x896xf32, #tpu.memory_space<hbm>>, %arg3: memref<1000x128xf32, #tpu.memory_space<hbm>>, %arg4: memref<51200xi32, #tpu.memory_space<hbm>>, %arg5: memref<51200x1000xf32, #tpu.memory_space<hbm>>, %arg6: memref<51200x128xf32, #tpu.memory_space<hbm>>, %arg7: memref<1600xi32, #tpu.memory_space<vmem>>, %arg8: memref<16x896xf32, #tpu.memory_space<vmem>>, %arg9: memref<16x896xf32, #tpu.memory_space<vmem>>, %arg10: memref<16x896xf32, #tpu.memory_space<vmem>>, %arg11: memref<16x896xf32, #tpu.memory_space<vmem>>, %arg12: memref<16x896xf32, #tpu.memory_space<vmem>>, %arg13: memref<16x128xf32, #tpu.memory_space<vmem>>, %arg14: memref<16x128xf32, #tpu.memory_space<vmem>>, %arg15: memref<16x128xf32, #tpu.memory_space<vmem>>, %arg16: memref<16x128xf32, #tpu.memory_space<vmem>>, %arg17: memref<16x128xf32, #tpu.memory_space<vmem>>, %arg18: memref<!tpu.dma_semaphore, #tpu.memory_space<semaphore_mem>>, %arg19: memref<!tpu.dma_semaphore, #tpu.memory_space<semaphore_mem>>, %arg20: memref<!tpu.dma_semaphore, #tpu.memory_space<semaphore_mem>>, %arg21: memref<!tpu.dma_semaphore, #tpu.memory_space<semaphore_mem>>, %arg22: memref<!tpu.dma_semaphore, #tpu.memory_space<semaphore_mem>>, %arg23: memref<!tpu.dma_semaphore, #tpu.memory_space<semaphore_mem>>, %arg24: memref<!tpu.dma_semaphore, #tpu.memory_space<semaphore_mem>>, %arg25: memref<!tpu.dma_semaphore, #tpu.memory_space<semaphore_mem>>, %arg26: memref<!tpu.dma_semaphore, #tpu.memory_space<semaphore_mem>>, %arg27: memref<!tpu.dma_semaphore, #tpu.memory_space<semaphore_mem>>) attributes {dimension_semantics = [#tpu.dimension_semantics<core_parallel>, #tpu.dimension_semantics<subcore_parallel>], iteration_bounds = array<i64: 2, 16>, scalar_prefetch = 0 : i64, scratch_operands = 21 : i64, tpu.core_type = #tpu.core_type<sc_vector_subcore>, window_params = [{transform_indices = #map}, {transform_indices = #map}, {transform_indices = #map1}, {transform_indices = #map}, {transform_indices = #map}]} {
    %mul3A = arith.constant 2 : i32
    %mul3A_0 = arith.muli %arg1, %mul3A : i32
    %add3A = arith.addi %mul3A_0, %arg0 : i32
    %mul3A_1 = arith.constant 1600 : i32
    %mul3A_2 = arith.muli %add3A, %mul3A_1 : i32
    "tpu.region"() ({
      %run_scoped3A = tpu.sem_alloc : memref<!tpu.dma_semaphore, #tpu.memory_space<semaphore_mem>>
      %dma_start3A_62 = tpu.memref_slice %arg4[%mul3A_2] : memref<51200xi32, #tpu.memory_space<hbm>> -> memref<1600xi32, #tpu.memory_space<hbm>>
      %dma_start3A_63 = tpu.memref_slice %arg4[%mul3A_2] : memref<51200xi32, #tpu.memory_space<hbm>> -> memref<1600xi32, #tpu.memory_space<hbm>>
      tpu.enqueue_dma source(%dma_start3A_63 : memref<1600xi32, #tpu.memory_space<hbm>>) target(%arg7 : memref<1600xi32, #tpu.memory_space<vmem>>) target_semaphore(%run_scoped3A : memref<!tpu.dma_semaphore, #tpu.memory_space<semaphore_mem>>)
      %dma_wait3A_64 = tpu.memref_slice %arg4[%mul3A_2] : memref<51200xi32, #tpu.memory_space<hbm>> -> memref<1600xi32, #tpu.memory_space<hbm>>
      %dma_wait3A_65 = tpu.memref_slice %arg4[%mul3A_2] : memref<51200xi32, #tpu.memory_space<hbm>> -> memref<1600xi32, #tpu.memory_space<hbm>>
      tpu.wait_dma2 semaphore(%run_scoped3A : memref<!tpu.dma_semaphore, #tpu.memory_space<semaphore_mem>>) src(%dma_wait3A_65 : memref<1600xi32, #tpu.memory_space<hbm>>) dst(%arg7 : memref<1600xi32, #tpu.memory_space<vmem>>)
      tpu.yield
    }) : () -> ()
    %dma_start3A = arith.constant 0 : i32
    %dma_start3A_3 = tpu.memref_slice %arg7[%dma_start3A] : memref<1600xi32, #tpu.memory_space<vmem>> -> memref<16xi32, #tpu.memory_space<vmem>>
    %dma_start3A_4 = arith.constant 0 : i32
    %dma_start3A_5 = arith.constant 0 : i32
    %dma_start3A_6 = tpu.memref_slice %arg2[%dma_start3A_4, %dma_start3A_5] : memref<1000x896xf32, #tpu.memory_space<hbm>> -> memref<1000x896xf32, #tpu.memory_space<hbm>>
    tpu.enqueue_indirect_dma source(%dma_start3A_6 : memref<1000x896xf32, #tpu.memory_space<hbm>>) target(%arg8 : memref<16x896xf32, #tpu.memory_space<vmem>>) offsets(%dma_start3A_3 : memref<16xi32, #tpu.memory_space<vmem>>) semaphore(%arg18 : memref<!tpu.dma_semaphore, #tpu.memory_space<semaphore_mem>>)
    %dma_start3A_7 = arith.constant 0 : i32
    %dma_start3A_8 = tpu.memref_slice %arg7[%dma_start3A_7] : memref<1600xi32, #tpu.memory_space<vmem>> -> memref<16xi32, #tpu.memory_space<vmem>>
    %dma_start3A_9 = arith.constant 0 : i32
    %dma_start3A_10 = arith.constant 0 : i32
    %dma_start3A_11 = tpu.memref_slice %arg3[%dma_start3A_9, %dma_start3A_10] : memref<1000x128xf32, #tpu.memory_space<hbm>> -> memref<1000x128xf32, #tpu.memory_space<hbm>>
    tpu.enqueue_indirect_dma source(%dma_start3A_11 : memref<1000x128xf32, #tpu.memory_space<hbm>>) target(%arg13 : memref<16x128xf32, #tpu.memory_space<vmem>>) offsets(%dma_start3A_8 : memref<16xi32, #tpu.memory_space<vmem>>) semaphore(%arg18 : memref<!tpu.dma_semaphore, #tpu.memory_space<semaphore_mem>>)
    %dma_start3A_12 = arith.constant 16 : i32
    %dma_start3A_13 = tpu.memref_slice %arg7[%dma_start3A_12] : memref<1600xi32, #tpu.memory_space<vmem>> -> memref<16xi32, #tpu.memory_space<vmem>>
    %dma_start3A_14 = arith.constant 0 : i32
    %dma_start3A_15 = arith.constant 0 : i32
    %dma_start3A_16 = tpu.memref_slice %arg2[%dma_start3A_14, %dma_start3A_15] : memref<1000x896xf32, #tpu.memory_space<hbm>> -> memref<1000x896xf32, #tpu.memory_space<hbm>>
    tpu.enqueue_indirect_dma source(%dma_start3A_16 : memref<1000x896xf32, #tpu.memory_space<hbm>>) target(%arg9 : memref<16x896xf32, #tpu.memory_space<vmem>>) offsets(%dma_start3A_13 : memref<16xi32, #tpu.memory_space<vmem>>) semaphore(%arg19 : memref<!tpu.dma_semaphore, #tpu.memory_space<semaphore_mem>>)
    %dma_start3A_17 = arith.constant 16 : i32
    %dma_start3A_18 = tpu.memref_slice %arg7[%dma_start3A_17] : memref<1600xi32, #tpu.memory_space<vmem>> -> memref<16xi32, #tpu.memory_space<vmem>>
    %dma_start3A_19 = arith.constant 0 : i32
    %dma_start3A_20 = arith.constant 0 : i32
    %dma_start3A_21 = tpu.memref_slice %arg3[%dma_start3A_19, %dma_start3A_20] : memref<1000x128xf32, #tpu.memory_space<hbm>> -> memref<1000x128xf32, #tpu.memory_space<hbm>>
    tpu.enqueue_indirect_dma source(%dma_start3A_21 : memref<1000x128xf32, #tpu.memory_space<hbm>>) target(%arg14 : memref<16x128xf32, #tpu.memory_space<vmem>>) offsets(%dma_start3A_18 : memref<16xi32, #tpu.memory_space<vmem>>) semaphore(%arg19 : memref<!tpu.dma_semaphore, #tpu.memory_space<semaphore_mem>>)
    %scan3A = arith.constant 0 : i32
    %scan3A_22 = arith.constant 0 : i32
    %scan3A_23 = arith.constant 20 : i32
    %scan3A_24 = arith.addi %scan3A_22, %scan3A_23 : i32
    %scan3A_25 = arith.constant 1 : i32
    scf.for %scan3A_62 = %scan3A_22 to %scan3A_24 step %scan3A_25  : i32 {
      %mul3A_63 = arith.constant 5 : i32
      %mul3A_64 = arith.muli %scan3A_62, %mul3A_63 : i32
      %add3A_65 = arith.constant 0 : i32
      %add3A_66 = arith.addi %mul3A_64, %add3A_65 : i32
      %dma_wait3A_67 = arith.constant 0 : i32
      %dma_wait3A_68 = arith.constant 0 : i32
      %dma_wait3A_69 = tpu.memref_slice %arg2[%dma_wait3A_67, %dma_wait3A_68] : memref<1000x896xf32, #tpu.memory_space<hbm>> -> memref<16x896xf32, #tpu.memory_space<hbm>>
      %dma_wait3A_70 = arith.constant 0 : i32
      %dma_wait3A_71 = arith.constant 0 : i32
      %dma_wait3A_72 = tpu.memref_slice %arg2[%dma_wait3A_70, %dma_wait3A_71] : memref<1000x896xf32, #tpu.memory_space<hbm>> -> memref<16x896xf32, #tpu.memory_space<hbm>>
      tpu.wait_dma2 semaphore(%arg18 : memref<!tpu.dma_semaphore, #tpu.memory_space<semaphore_mem>>) src(%dma_wait3A_72 : memref<16x896xf32, #tpu.memory_space<hbm>>) dst(%arg8 : memref<16x896xf32, #tpu.memory_space<vmem>>)
      %dma_wait3A_73 = arith.constant 0 : i32
      %dma_wait3A_74 = arith.constant 0 : i32
      %dma_wait3A_75 = tpu.memref_slice %arg3[%dma_wait3A_73, %dma_wait3A_74] : memref<1000x128xf32, #tpu.memory_space<hbm>> -> memref<16x128xf32, #tpu.memory_space<hbm>>
      %dma_wait3A_76 = arith.constant 0 : i32
      %dma_wait3A_77 = arith.constant 0 : i32
      %dma_wait3A_78 = tpu.memref_slice %arg3[%dma_wait3A_76, %dma_wait3A_77] : memref<1000x128xf32, #tpu.memory_space<hbm>> -> memref<16x128xf32, #tpu.memory_space<hbm>>
      tpu.wait_dma2 semaphore(%arg18 : memref<!tpu.dma_semaphore, #tpu.memory_space<semaphore_mem>>) src(%dma_wait3A_78 : memref<16x128xf32, #tpu.memory_space<hbm>>) dst(%arg13 : memref<16x128xf32, #tpu.memory_space<vmem>>)
      %mul3A_79 = arith.constant 16 : i32
      %mul3A_80 = arith.muli %add3A_66, %mul3A_79 : i32
      %add3A_81 = arith.addi %mul3A_2, %mul3A_80 : i32
      %dma_start3A_82 = arith.constant 0 : i32
      %dma_start3A_83 = tpu.memref_slice %arg5[%add3A_81, %dma_start3A_82] : memref<51200x1000xf32, #tpu.memory_space<hbm>> -> memref<16x896xf32, #tpu.memory_space<hbm>>
      %dma_start3A_84 = arith.constant 0 : i32
      %dma_start3A_85 = tpu.memref_slice %arg5[%add3A_81, %dma_start3A_84] : memref<51200x1000xf32, #tpu.memory_space<hbm>> -> memref<16x896xf32, #tpu.memory_space<hbm>>
      tpu.enqueue_dma source(%arg8 : memref<16x896xf32, #tpu.memory_space<vmem>>) target(%dma_start3A_85 : memref<16x896xf32, #tpu.memory_space<hbm>>) target_semaphore(%arg23 : memref<!tpu.dma_semaphore, #tpu.memory_space<semaphore_mem>>)
      %dma_start3A_86 = arith.constant 0 : i32
      %dma_start3A_87 = tpu.memref_slice %arg6[%add3A_81, %dma_start3A_86] : memref<51200x128xf32, #tpu.memory_space<hbm>> -> memref<16x128xf32, #tpu.memory_space<hbm>>
      %dma_start3A_88 = arith.constant 0 : i32
      %dma_start3A_89 = tpu.memref_slice %arg6[%add3A_81, %dma_start3A_88] : memref<51200x128xf32, #tpu.memory_space<hbm>> -> memref<16x128xf32, #tpu.memory_space<hbm>>
      tpu.enqueue_dma source(%arg13 : memref<16x128xf32, #tpu.memory_space<vmem>>) target(%dma_start3A_89 : memref<16x128xf32, #tpu.memory_space<hbm>>) target_semaphore(%arg23 : memref<!tpu.dma_semaphore, #tpu.memory_space<semaphore_mem>>)
      %ge3A = arith.constant 3 : i32
      %ge3A_90 = arith.cmpi sge, %add3A_66, %ge3A : i32
      %convert_element_type3A = arith.extui %ge3A_90 : i1 to i32
      %cond3A = arith.constant 0 : i32
      %cond3A_91 = arith.cmpi ne, %convert_element_type3A, %cond3A : i32
      scf.if %cond3A_91 {
        %dma_wait3A_254 = arith.constant 0 : i32
        %dma_wait3A_255 = arith.constant 0 : i32
        %dma_wait3A_256 = tpu.memref_slice %arg5[%dma_wait3A_254, %dma_wait3A_255] : memref<51200x1000xf32, #tpu.memory_space<hbm>> -> memref<16x896xf32, #tpu.memory_space<hbm>>
        %dma_wait3A_257 = arith.constant 0 : i32
        %dma_wait3A_258 = arith.constant 0 : i32
        %dma_wait3A_259 = tpu.memref_slice %arg5[%dma_wait3A_257, %dma_wait3A_258] : memref<51200x1000xf32, #tpu.memory_space<hbm>> -> memref<16x896xf32, #tpu.memory_space<hbm>>
        tpu.wait_dma2 semaphore(%arg25 : memref<!tpu.dma_semaphore, #tpu.memory_space<semaphore_mem>>) src(%arg10 : memref<16x896xf32, #tpu.memory_space<vmem>>) dst(%dma_wait3A_259 : memref<16x896xf32, #tpu.memory_space<hbm>>)
        %dma_wait3A_260 = arith.constant 0 : i32
        %dma_wait3A_261 = arith.constant 0 : i32
        %dma_wait3A_262 = tpu.memref_slice %arg6[%dma_wait3A_260, %dma_wait3A_261] : memref<51200x128xf32, #tpu.memory_space<hbm>> -> memref<16x128xf32, #tpu.memory_space<hbm>>
        %dma_wait3A_263 = arith.constant 0 : i32
        %dma_wait3A_264 = arith.constant 0 : i32
        %dma_wait3A_265 = tpu.memref_slice %arg6[%dma_wait3A_263, %dma_wait3A_264] : memref<51200x128xf32, #tpu.memory_space<hbm>> -> memref<16x128xf32, #tpu.memory_space<hbm>>
        tpu.wait_dma2 semaphore(%arg25 : memref<!tpu.dma_semaphore, #tpu.memory_space<semaphore_mem>>) src(%arg15 : memref<16x128xf32, #tpu.memory_space<vmem>>) dst(%dma_wait3A_265 : memref<16x128xf32, #tpu.memory_space<hbm>>)
      } else {
      }
      %add3A_92 = arith.constant 2 : i32
      %add3A_93 = arith.addi %add3A_66, %add3A_92 : i32
      %lt3A = arith.constant 100 : i32
      %lt3A_94 = arith.cmpi slt, %add3A_93, %lt3A : i32
      %convert_element_type3A_95 = arith.extui %lt3A_94 : i1 to i32
      %cond3A_96 = arith.constant 0 : i32
      %cond3A_97 = arith.cmpi ne, %convert_element_type3A_95, %cond3A_96 : i32
      scf.if %cond3A_97 {
        %add3A_254 = arith.constant 2 : i32
        %add3A_255 = arith.addi %add3A_66, %add3A_254 : i32
        %mul3A_256 = arith.constant 16 : i32
        %mul3A_257 = arith.muli %add3A_255, %mul3A_256 : i32
        %dma_start3A_258 = tpu.memref_slice %arg7[%mul3A_257] : memref<1600xi32, #tpu.memory_space<vmem>> -> memref<16xi32, #tpu.memory_space<vmem>>
        %dma_start3A_259 = arith.constant 0 : i32
        %dma_start3A_260 = arith.constant 0 : i32
        %dma_start3A_261 = tpu.memref_slice %arg2[%dma_start3A_259, %dma_start3A_260] : memref<1000x896xf32, #tpu.memory_space<hbm>> -> memref<1000x896xf32, #tpu.memory_space<hbm>>
        tpu.enqueue_indirect_dma source(%dma_start3A_261 : memref<1000x896xf32, #tpu.memory_space<hbm>>) target(%arg10 : memref<16x896xf32, #tpu.memory_space<vmem>>) offsets(%dma_start3A_258 : memref<16xi32, #tpu.memory_space<vmem>>) semaphore(%arg20 : memref<!tpu.dma_semaphore, #tpu.memory_space<semaphore_mem>>)
        %dma_start3A_262 = tpu.memref_slice %arg7[%mul3A_257] : memref<1600xi32, #tpu.memory_space<vmem>> -> memref<16xi32, #tpu.memory_space<vmem>>
        %dma_start3A_263 = arith.constant 0 : i32
        %dma_start3A_264 = arith.constant 0 : i32
        %dma_start3A_265 = tpu.memref_slice %arg3[%dma_start3A_263, %dma_start3A_264] : memref<1000x128xf32, #tpu.memory_space<hbm>> -> memref<1000x128xf32, #tpu.memory_space<hbm>>
        tpu.enqueue_indirect_dma source(%dma_start3A_265 : memref<1000x128xf32, #tpu.memory_space<hbm>>) target(%arg15 : memref<16x128xf32, #tpu.memory_space<vmem>>) offsets(%dma_start3A_262 : memref<16xi32, #tpu.memory_space<vmem>>) semaphore(%arg20 : memref<!tpu.dma_semaphore, #tpu.memory_space<semaphore_mem>>)
      } else {
      }
      %mul3A_98 = arith.constant 5 : i32
      %mul3A_99 = arith.muli %scan3A_62, %mul3A_98 : i32
      %add3A_100 = arith.constant 1 : i32
      %add3A_101 = arith.addi %mul3A_99, %add3A_100 : i32
      %dma_wait3A_102 = arith.constant 0 : i32
      %dma_wait3A_103 = arith.constant 0 : i32
      %dma_wait3A_104 = tpu.memref_slice %arg2[%dma_wait3A_102, %dma_wait3A_103] : memref<1000x896xf32, #tpu.memory_space<hbm>> -> memref<16x896xf32, #tpu.memory_space<hbm>>
      %dma_wait3A_105 = arith.constant 0 : i32
      %dma_wait3A_106 = arith.constant 0 : i32
      %dma_wait3A_107 = tpu.memref_slice %arg2[%dma_wait3A_105, %dma_wait3A_106] : memref<1000x896xf32, #tpu.memory_space<hbm>> -> memref<16x896xf32, #tpu.memory_space<hbm>>
      tpu.wait_dma2 semaphore(%arg19 : memref<!tpu.dma_semaphore, #tpu.memory_space<semaphore_mem>>) src(%dma_wait3A_107 : memref<16x896xf32, #tpu.memory_space<hbm>>) dst(%arg9 : memref<16x896xf32, #tpu.memory_space<vmem>>)
      %dma_wait3A_108 = arith.constant 0 : i32
      %dma_wait3A_109 = arith.constant 0 : i32
      %dma_wait3A_110 = tpu.memref_slice %arg3[%dma_wait3A_108, %dma_wait3A_109] : memref<1000x128xf32, #tpu.memory_space<hbm>> -> memref<16x128xf32, #tpu.memory_space<hbm>>
      %dma_wait3A_111 = arith.constant 0 : i32
      %dma_wait3A_112 = arith.constant 0 : i32
      %dma_wait3A_113 = tpu.memref_slice %arg3[%dma_wait3A_111, %dma_wait3A_112] : memref<1000x128xf32, #tpu.memory_space<hbm>> -> memref<16x128xf32, #tpu.memory_space<hbm>>
      tpu.wait_dma2 semaphore(%arg19 : memref<!tpu.dma_semaphore, #tpu.memory_space<semaphore_mem>>) src(%dma_wait3A_113 : memref<16x128xf32, #tpu.memory_space<hbm>>) dst(%arg14 : memref<16x128xf32, #tpu.memory_space<vmem>>)
      %mul3A_114 = arith.constant 16 : i32
      %mul3A_115 = arith.muli %add3A_101, %mul3A_114 : i32
      %add3A_116 = arith.addi %mul3A_2, %mul3A_115 : i32
      %dma_start3A_117 = arith.constant 0 : i32
      %dma_start3A_118 = tpu.memref_slice %arg5[%add3A_116, %dma_start3A_117] : memref<51200x1000xf32, #tpu.memory_space<hbm>> -> memref<16x896xf32, #tpu.memory_space<hbm>>
      %dma_start3A_119 = arith.constant 0 : i32
      %dma_start3A_120 = tpu.memref_slice %arg5[%add3A_116, %dma_start3A_119] : memref<51200x1000xf32, #tpu.memory_space<hbm>> -> memref<16x896xf32, #tpu.memory_space<hbm>>
      tpu.enqueue_dma source(%arg9 : memref<16x896xf32, #tpu.memory_space<vmem>>) target(%dma_start3A_120 : memref<16x896xf32, #tpu.memory_space<hbm>>) target_semaphore(%arg24 : memref<!tpu.dma_semaphore, #tpu.memory_space<semaphore_mem>>)
      %dma_start3A_121 = arith.constant 0 : i32
      %dma_start3A_122 = tpu.memref_slice %arg6[%add3A_116, %dma_start3A_121] : memref<51200x128xf32, #tpu.memory_space<hbm>> -> memref<16x128xf32, #tpu.memory_space<hbm>>
      %dma_start3A_123 = arith.constant 0 : i32
      %dma_start3A_124 = tpu.memref_slice %arg6[%add3A_116, %dma_start3A_123] : memref<51200x128xf32, #tpu.memory_space<hbm>> -> memref<16x128xf32, #tpu.memory_space<hbm>>
      tpu.enqueue_dma source(%arg14 : memref<16x128xf32, #tpu.memory_space<vmem>>) target(%dma_start3A_124 : memref<16x128xf32, #tpu.memory_space<hbm>>) target_semaphore(%arg24 : memref<!tpu.dma_semaphore, #tpu.memory_space<semaphore_mem>>)
      %ge3A_125 = arith.constant 3 : i32
      %ge3A_126 = arith.cmpi sge, %add3A_101, %ge3A_125 : i32
      %convert_element_type3A_127 = arith.extui %ge3A_126 : i1 to i32
      %cond3A_128 = arith.constant 0 : i32
      %cond3A_129 = arith.cmpi ne, %convert_element_type3A_127, %cond3A_128 : i32
      scf.if %cond3A_129 {
        %dma_wait3A_254 = arith.constant 0 : i32
        %dma_wait3A_255 = arith.constant 0 : i32
        %dma_wait3A_256 = tpu.memref_slice %arg5[%dma_wait3A_254, %dma_wait3A_255] : memref<51200x1000xf32, #tpu.memory_space<hbm>> -> memref<16x896xf32, #tpu.memory_space<hbm>>
        %dma_wait3A_257 = arith.constant 0 : i32
        %dma_wait3A_258 = arith.constant 0 : i32
        %dma_wait3A_259 = tpu.memref_slice %arg5[%dma_wait3A_257, %dma_wait3A_258] : memref<51200x1000xf32, #tpu.memory_space<hbm>> -> memref<16x896xf32, #tpu.memory_space<hbm>>
        tpu.wait_dma2 semaphore(%arg26 : memref<!tpu.dma_semaphore, #tpu.memory_space<semaphore_mem>>) src(%arg11 : memref<16x896xf32, #tpu.memory_space<vmem>>) dst(%dma_wait3A_259 : memref<16x896xf32, #tpu.memory_space<hbm>>)
        %dma_wait3A_260 = arith.constant 0 : i32
        %dma_wait3A_261 = arith.constant 0 : i32
        %dma_wait3A_262 = tpu.memref_slice %arg6[%dma_wait3A_260, %dma_wait3A_261] : memref<51200x128xf32, #tpu.memory_space<hbm>> -> memref<16x128xf32, #tpu.memory_space<hbm>>
        %dma_wait3A_263 = arith.constant 0 : i32
        %dma_wait3A_264 = arith.constant 0 : i32
        %dma_wait3A_265 = tpu.memref_slice %arg6[%dma_wait3A_263, %dma_wait3A_264] : memref<51200x128xf32, #tpu.memory_space<hbm>> -> memref<16x128xf32, #tpu.memory_space<hbm>>
        tpu.wait_dma2 semaphore(%arg26 : memref<!tpu.dma_semaphore, #tpu.memory_space<semaphore_mem>>) src(%arg16 : memref<16x128xf32, #tpu.memory_space<vmem>>) dst(%dma_wait3A_265 : memref<16x128xf32, #tpu.memory_space<hbm>>)
      } else {
      }
      %add3A_130 = arith.constant 2 : i32
      %add3A_131 = arith.addi %add3A_101, %add3A_130 : i32
      %lt3A_132 = arith.constant 100 : i32
      %lt3A_133 = arith.cmpi slt, %add3A_131, %lt3A_132 : i32
      %convert_element_type3A_134 = arith.extui %lt3A_133 : i1 to i32
      %cond3A_135 = arith.constant 0 : i32
      %cond3A_136 = arith.cmpi ne, %convert_element_type3A_134, %cond3A_135 : i32
      scf.if %cond3A_136 {
        %add3A_254 = arith.constant 2 : i32
        %add3A_255 = arith.addi %add3A_101, %add3A_254 : i32
        %mul3A_256 = arith.constant 16 : i32
        %mul3A_257 = arith.muli %add3A_255, %mul3A_256 : i32
        %dma_start3A_258 = tpu.memref_slice %arg7[%mul3A_257] : memref<1600xi32, #tpu.memory_space<vmem>> -> memref<16xi32, #tpu.memory_space<vmem>>
        %dma_start3A_259 = arith.constant 0 : i32
        %dma_start3A_260 = arith.constant 0 : i32
        %dma_start3A_261 = tpu.memref_slice %arg2[%dma_start3A_259, %dma_start3A_260] : memref<1000x896xf32, #tpu.memory_space<hbm>> -> memref<1000x896xf32, #tpu.memory_space<hbm>>
        tpu.enqueue_indirect_dma source(%dma_start3A_261 : memref<1000x896xf32, #tpu.memory_space<hbm>>) target(%arg11 : memref<16x896xf32, #tpu.memory_space<vmem>>) offsets(%dma_start3A_258 : memref<16xi32, #tpu.memory_space<vmem>>) semaphore(%arg21 : memref<!tpu.dma_semaphore, #tpu.memory_space<semaphore_mem>>)
        %dma_start3A_262 = tpu.memref_slice %arg7[%mul3A_257] : memref<1600xi32, #tpu.memory_space<vmem>> -> memref<16xi32, #tpu.memory_space<vmem>>
        %dma_start3A_263 = arith.constant 0 : i32
        %dma_start3A_264 = arith.constant 0 : i32
        %dma_start3A_265 = tpu.memref_slice %arg3[%dma_start3A_263, %dma_start3A_264] : memref<1000x128xf32, #tpu.memory_space<hbm>> -> memref<1000x128xf32, #tpu.memory_space<hbm>>
        tpu.enqueue_indirect_dma source(%dma_start3A_265 : memref<1000x128xf32, #tpu.memory_space<hbm>>) target(%arg16 : memref<16x128xf32, #tpu.memory_space<vmem>>) offsets(%dma_start3A_262 : memref<16xi32, #tpu.memory_space<vmem>>) semaphore(%arg21 : memref<!tpu.dma_semaphore, #tpu.memory_space<semaphore_mem>>)
      } else {
      }
      %mul3A_137 = arith.constant 5 : i32
      %mul3A_138 = arith.muli %scan3A_62, %mul3A_137 : i32
      %add3A_139 = arith.constant 2 : i32
      %add3A_140 = arith.addi %mul3A_138, %add3A_139 : i32
      %dma_wait3A_141 = arith.constant 0 : i32
      %dma_wait3A_142 = arith.constant 0 : i32
      %dma_wait3A_143 = tpu.memref_slice %arg2[%dma_wait3A_141, %dma_wait3A_142] : memref<1000x896xf32, #tpu.memory_space<hbm>> -> memref<16x896xf32, #tpu.memory_space<hbm>>
      %dma_wait3A_144 = arith.constant 0 : i32
      %dma_wait3A_145 = arith.constant 0 : i32
      %dma_wait3A_146 = tpu.memref_slice %arg2[%dma_wait3A_144, %dma_wait3A_145] : memref<1000x896xf32, #tpu.memory_space<hbm>> -> memref<16x896xf32, #tpu.memory_space<hbm>>
      tpu.wait_dma2 semaphore(%arg20 : memref<!tpu.dma_semaphore, #tpu.memory_space<semaphore_mem>>) src(%dma_wait3A_146 : memref<16x896xf32, #tpu.memory_space<hbm>>) dst(%arg10 : memref<16x896xf32, #tpu.memory_space<vmem>>)
      %dma_wait3A_147 = arith.constant 0 : i32
      %dma_wait3A_148 = arith.constant 0 : i32
      %dma_wait3A_149 = tpu.memref_slice %arg3[%dma_wait3A_147, %dma_wait3A_148] : memref<1000x128xf32, #tpu.memory_space<hbm>> -> memref<16x128xf32, #tpu.memory_space<hbm>>
      %dma_wait3A_150 = arith.constant 0 : i32
      %dma_wait3A_151 = arith.constant 0 : i32
      %dma_wait3A_152 = tpu.memref_slice %arg3[%dma_wait3A_150, %dma_wait3A_151] : memref<1000x128xf32, #tpu.memory_space<hbm>> -> memref<16x128xf32, #tpu.memory_space<hbm>>
      tpu.wait_dma2 semaphore(%arg20 : memref<!tpu.dma_semaphore, #tpu.memory_space<semaphore_mem>>) src(%dma_wait3A_152 : memref<16x128xf32, #tpu.memory_space<hbm>>) dst(%arg15 : memref<16x128xf32, #tpu.memory_space<vmem>>)
      %mul3A_153 = arith.constant 16 : i32
      %mul3A_154 = arith.muli %add3A_140, %mul3A_153 : i32
      %add3A_155 = arith.addi %mul3A_2, %mul3A_154 : i32
      %dma_start3A_156 = arith.constant 0 : i32
      %dma_start3A_157 = tpu.memref_slice %arg5[%add3A_155, %dma_start3A_156] : memref<51200x1000xf32, #tpu.memory_space<hbm>> -> memref<16x896xf32, #tpu.memory_space<hbm>>
      %dma_start3A_158 = arith.constant 0 : i32
      %dma_start3A_159 = tpu.memref_slice %arg5[%add3A_155, %dma_start3A_158] : memref<51200x1000xf32, #tpu.memory_space<hbm>> -> memref<16x896xf32, #tpu.memory_space<hbm>>
      tpu.enqueue_dma source(%arg10 : memref<16x896xf32, #tpu.memory_space<vmem>>) target(%dma_start3A_159 : memref<16x896xf32, #tpu.memory_space<hbm>>) target_semaphore(%arg25 : memref<!tpu.dma_semaphore, #tpu.memory_space<semaphore_mem>>)
      %dma_start3A_160 = arith.constant 0 : i32
      %dma_start3A_161 = tpu.memref_slice %arg6[%add3A_155, %dma_start3A_160] : memref<51200x128xf32, #tpu.memory_space<hbm>> -> memref<16x128xf32, #tpu.memory_space<hbm>>
      %dma_start3A_162 = arith.constant 0 : i32
      %dma_start3A_163 = tpu.memref_slice %arg6[%add3A_155, %dma_start3A_162] : memref<51200x128xf32, #tpu.memory_space<hbm>> -> memref<16x128xf32, #tpu.memory_space<hbm>>
      tpu.enqueue_dma source(%arg15 : memref<16x128xf32, #tpu.memory_space<vmem>>) target(%dma_start3A_163 : memref<16x128xf32, #tpu.memory_space<hbm>>) target_semaphore(%arg25 : memref<!tpu.dma_semaphore, #tpu.memory_space<semaphore_mem>>)
      %ge3A_164 = arith.constant 3 : i32
      %ge3A_165 = arith.cmpi sge, %add3A_140, %ge3A_164 : i32
      %convert_element_type3A_166 = arith.extui %ge3A_165 : i1 to i32
      %cond3A_167 = arith.constant 0 : i32
      %cond3A_168 = arith.cmpi ne, %convert_element_type3A_166, %cond3A_167 : i32
      scf.if %cond3A_168 {
        %dma_wait3A_254 = arith.constant 0 : i32
        %dma_wait3A_255 = arith.constant 0 : i32
        %dma_wait3A_256 = tpu.memref_slice %arg5[%dma_wait3A_254, %dma_wait3A_255] : memref<51200x1000xf32, #tpu.memory_space<hbm>> -> memref<16x896xf32, #tpu.memory_space<hbm>>
        %dma_wait3A_257 = arith.constant 0 : i32
        %dma_wait3A_258 = arith.constant 0 : i32
        %dma_wait3A_259 = tpu.memref_slice %arg5[%dma_wait3A_257, %dma_wait3A_258] : memref<51200x1000xf32, #tpu.memory_space<hbm>> -> memref<16x896xf32, #tpu.memory_space<hbm>>
        tpu.wait_dma2 semaphore(%arg27 : memref<!tpu.dma_semaphore, #tpu.memory_space<semaphore_mem>>) src(%arg12 : memref<16x896xf32, #tpu.memory_space<vmem>>) dst(%dma_wait3A_259 : memref<16x896xf32, #tpu.memory_space<hbm>>)
        %dma_wait3A_260 = arith.constant 0 : i32
        %dma_wait3A_261 = arith.constant 0 : i32
        %dma_wait3A_262 = tpu.memref_slice %arg6[%dma_wait3A_260, %dma_wait3A_261] : memref<51200x128xf32, #tpu.memory_space<hbm>> -> memref<16x128xf32, #tpu.memory_space<hbm>>
        %dma_wait3A_263 = arith.constant 0 : i32
        %dma_wait3A_264 = arith.constant 0 : i32
        %dma_wait3A_265 = tpu.memref_slice %arg6[%dma_wait3A_263, %dma_wait3A_264] : memref<51200x128xf32, #tpu.memory_space<hbm>> -> memref<16x128xf32, #tpu.memory_space<hbm>>
        tpu.wait_dma2 semaphore(%arg27 : memref<!tpu.dma_semaphore, #tpu.memory_space<semaphore_mem>>) src(%arg17 : memref<16x128xf32, #tpu.memory_space<vmem>>) dst(%dma_wait3A_265 : memref<16x128xf32, #tpu.memory_space<hbm>>)
      } else {
      }
      %add3A_169 = arith.constant 2 : i32
      %add3A_170 = arith.addi %add3A_140, %add3A_169 : i32
      %lt3A_171 = arith.constant 100 : i32
      %lt3A_172 = arith.cmpi slt, %add3A_170, %lt3A_171 : i32
      %convert_element_type3A_173 = arith.extui %lt3A_172 : i1 to i32
      %cond3A_174 = arith.constant 0 : i32
      %cond3A_175 = arith.cmpi ne, %convert_element_type3A_173, %cond3A_174 : i32
      scf.if %cond3A_175 {
        %add3A_254 = arith.constant 2 : i32
        %add3A_255 = arith.addi %add3A_140, %add3A_254 : i32
        %mul3A_256 = arith.constant 16 : i32
        %mul3A_257 = arith.muli %add3A_255, %mul3A_256 : i32
        %dma_start3A_258 = tpu.memref_slice %arg7[%mul3A_257] : memref<1600xi32, #tpu.memory_space<vmem>> -> memref<16xi32, #tpu.memory_space<vmem>>
        %dma_start3A_259 = arith.constant 0 : i32
        %dma_start3A_260 = arith.constant 0 : i32
        %dma_start3A_261 = tpu.memref_slice %arg2[%dma_start3A_259, %dma_start3A_260] : memref<1000x896xf32, #tpu.memory_space<hbm>> -> memref<1000x896xf32, #tpu.memory_space<hbm>>
        tpu.enqueue_indirect_dma source(%dma_start3A_261 : memref<1000x896xf32, #tpu.memory_space<hbm>>) target(%arg12 : memref<16x896xf32, #tpu.memory_space<vmem>>) offsets(%dma_start3A_258 : memref<16xi32, #tpu.memory_space<vmem>>) semaphore(%arg22 : memref<!tpu.dma_semaphore, #tpu.memory_space<semaphore_mem>>)
        %dma_start3A_262 = tpu.memref_slice %arg7[%mul3A_257] : memref<1600xi32, #tpu.memory_space<vmem>> -> memref<16xi32, #tpu.memory_space<vmem>>
        %dma_start3A_263 = arith.constant 0 : i32
        %dma_start3A_264 = arith.constant 0 : i32
        %dma_start3A_265 = tpu.memref_slice %arg3[%dma_start3A_263, %dma_start3A_264] : memref<1000x128xf32, #tpu.memory_space<hbm>> -> memref<1000x128xf32, #tpu.memory_space<hbm>>
        tpu.enqueue_indirect_dma source(%dma_start3A_265 : memref<1000x128xf32, #tpu.memory_space<hbm>>) target(%arg17 : memref<16x128xf32, #tpu.memory_space<vmem>>) offsets(%dma_start3A_262 : memref<16xi32, #tpu.memory_space<vmem>>) semaphore(%arg22 : memref<!tpu.dma_semaphore, #tpu.memory_space<semaphore_mem>>)
      } else {
      }
      %mul3A_176 = arith.constant 5 : i32
      %mul3A_177 = arith.muli %scan3A_62, %mul3A_176 : i32
      %add3A_178 = arith.constant 3 : i32
      %add3A_179 = arith.addi %mul3A_177, %add3A_178 : i32
      %dma_wait3A_180 = arith.constant 0 : i32
      %dma_wait3A_181 = arith.constant 0 : i32
      %dma_wait3A_182 = tpu.memref_slice %arg2[%dma_wait3A_180, %dma_wait3A_181] : memref<1000x896xf32, #tpu.memory_space<hbm>> -> memref<16x896xf32, #tpu.memory_space<hbm>>
      %dma_wait3A_183 = arith.constant 0 : i32
      %dma_wait3A_184 = arith.constant 0 : i32
      %dma_wait3A_185 = tpu.memref_slice %arg2[%dma_wait3A_183, %dma_wait3A_184] : memref<1000x896xf32, #tpu.memory_space<hbm>> -> memref<16x896xf32, #tpu.memory_space<hbm>>
      tpu.wait_dma2 semaphore(%arg21 : memref<!tpu.dma_semaphore, #tpu.memory_space<semaphore_mem>>) src(%dma_wait3A_185 : memref<16x896xf32, #tpu.memory_space<hbm>>) dst(%arg11 : memref<16x896xf32, #tpu.memory_space<vmem>>)
      %dma_wait3A_186 = arith.constant 0 : i32
      %dma_wait3A_187 = arith.constant 0 : i32
      %dma_wait3A_188 = tpu.memref_slice %arg3[%dma_wait3A_186, %dma_wait3A_187] : memref<1000x128xf32, #tpu.memory_space<hbm>> -> memref<16x128xf32, #tpu.memory_space<hbm>>
      %dma_wait3A_189 = arith.constant 0 : i32
      %dma_wait3A_190 = arith.constant 0 : i32
      %dma_wait3A_191 = tpu.memref_slice %arg3[%dma_wait3A_189, %dma_wait3A_190] : memref<1000x128xf32, #tpu.memory_space<hbm>> -> memref<16x128xf32, #tpu.memory_space<hbm>>
      tpu.wait_dma2 semaphore(%arg21 : memref<!tpu.dma_semaphore, #tpu.memory_space<semaphore_mem>>) src(%dma_wait3A_191 : memref<16x128xf32, #tpu.memory_space<hbm>>) dst(%arg16 : memref<16x128xf32, #tpu.memory_space<vmem>>)
      %mul3A_192 = arith.constant 16 : i32
      %mul3A_193 = arith.muli %add3A_179, %mul3A_192 : i32
      %add3A_194 = arith.addi %mul3A_2, %mul3A_193 : i32
      %dma_start3A_195 = arith.constant 0 : i32
      %dma_start3A_196 = tpu.memref_slice %arg5[%add3A_194, %dma_start3A_195] : memref<51200x1000xf32, #tpu.memory_space<hbm>> -> memref<16x896xf32, #tpu.memory_space<hbm>>
      %dma_start3A_197 = arith.constant 0 : i32
      %dma_start3A_198 = tpu.memref_slice %arg5[%add3A_194, %dma_start3A_197] : memref<51200x1000xf32, #tpu.memory_space<hbm>> -> memref<16x896xf32, #tpu.memory_space<hbm>>
      tpu.enqueue_dma source(%arg11 : memref<16x896xf32, #tpu.memory_space<vmem>>) target(%dma_start3A_198 : memref<16x896xf32, #tpu.memory_space<hbm>>) target_semaphore(%arg26 : memref<!tpu.dma_semaphore, #tpu.memory_space<semaphore_mem>>)
      %dma_start3A_199 = arith.constant 0 : i32
      %dma_start3A_200 = tpu.memref_slice %arg6[%add3A_194, %dma_start3A_199] : memref<51200x128xf32, #tpu.memory_space<hbm>> -> memref<16x128xf32, #tpu.memory_space<hbm>>
      %dma_start3A_201 = arith.constant 0 : i32
      %dma_start3A_202 = tpu.memref_slice %arg6[%add3A_194, %dma_start3A_201] : memref<51200x128xf32, #tpu.memory_space<hbm>> -> memref<16x128xf32, #tpu.memory_space<hbm>>
      tpu.enqueue_dma source(%arg16 : memref<16x128xf32, #tpu.memory_space<vmem>>) target(%dma_start3A_202 : memref<16x128xf32, #tpu.memory_space<hbm>>) target_semaphore(%arg26 : memref<!tpu.dma_semaphore, #tpu.memory_space<semaphore_mem>>)
      %ge3A_203 = arith.constant 3 : i32
      %ge3A_204 = arith.cmpi sge, %add3A_179, %ge3A_203 : i32
      %convert_element_type3A_205 = arith.extui %ge3A_204 : i1 to i32
      %cond3A_206 = arith.constant 0 : i32
      %cond3A_207 = arith.cmpi ne, %convert_element_type3A_205, %cond3A_206 : i32
      scf.if %cond3A_207 {
        %dma_wait3A_254 = arith.constant 0 : i32
        %dma_wait3A_255 = arith.constant 0 : i32
        %dma_wait3A_256 = tpu.memref_slice %arg5[%dma_wait3A_254, %dma_wait3A_255] : memref<51200x1000xf32, #tpu.memory_space<hbm>> -> memref<16x896xf32, #tpu.memory_space<hbm>>
        %dma_wait3A_257 = arith.constant 0 : i32
        %dma_wait3A_258 = arith.constant 0 : i32
        %dma_wait3A_259 = tpu.memref_slice %arg5[%dma_wait3A_257, %dma_wait3A_258] : memref<51200x1000xf32, #tpu.memory_space<hbm>> -> memref<16x896xf32, #tpu.memory_space<hbm>>
        tpu.wait_dma2 semaphore(%arg23 : memref<!tpu.dma_semaphore, #tpu.memory_space<semaphore_mem>>) src(%arg8 : memref<16x896xf32, #tpu.memory_space<vmem>>) dst(%dma_wait3A_259 : memref<16x896xf32, #tpu.memory_space<hbm>>)
        %dma_wait3A_260 = arith.constant 0 : i32
        %dma_wait3A_261 = arith.constant 0 : i32
        %dma_wait3A_262 = tpu.memref_slice %arg6[%dma_wait3A_260, %dma_wait3A_261] : memref<51200x128xf32, #tpu.memory_space<hbm>> -> memref<16x128xf32, #tpu.memory_space<hbm>>
        %dma_wait3A_263 = arith.constant 0 : i32
        %dma_wait3A_264 = arith.constant 0 : i32
        %dma_wait3A_265 = tpu.memref_slice %arg6[%dma_wait3A_263, %dma_wait3A_264] : memref<51200x128xf32, #tpu.memory_space<hbm>> -> memref<16x128xf32, #tpu.memory_space<hbm>>
        tpu.wait_dma2 semaphore(%arg23 : memref<!tpu.dma_semaphore, #tpu.memory_space<semaphore_mem>>) src(%arg13 : memref<16x128xf32, #tpu.memory_space<vmem>>) dst(%dma_wait3A_265 : memref<16x128xf32, #tpu.memory_space<hbm>>)
      } else {
      }
      %add3A_208 = arith.constant 2 : i32
      %add3A_209 = arith.addi %add3A_179, %add3A_208 : i32
      %lt3A_210 = arith.constant 100 : i32
      %lt3A_211 = arith.cmpi slt, %add3A_209, %lt3A_210 : i32
      %convert_element_type3A_212 = arith.extui %lt3A_211 : i1 to i32
      %cond3A_213 = arith.constant 0 : i32
      %cond3A_214 = arith.cmpi ne, %convert_element_type3A_212, %cond3A_213 : i32
      scf.if %cond3A_214 {
        %add3A_254 = arith.constant 2 : i32
        %add3A_255 = arith.addi %add3A_179, %add3A_254 : i32
        %mul3A_256 = arith.constant 16 : i32
        %mul3A_257 = arith.muli %add3A_255, %mul3A_256 : i32
        %dma_start3A_258 = tpu.memref_slice %arg7[%mul3A_257] : memref<1600xi32, #tpu.memory_space<vmem>> -> memref<16xi32, #tpu.memory_space<vmem>>
        %dma_start3A_259 = arith.constant 0 : i32
        %dma_start3A_260 = arith.constant 0 : i32
        %dma_start3A_261 = tpu.memref_slice %arg2[%dma_start3A_259, %dma_start3A_260] : memref<1000x896xf32, #tpu.memory_space<hbm>> -> memref<1000x896xf32, #tpu.memory_space<hbm>>
        tpu.enqueue_indirect_dma source(%dma_start3A_261 : memref<1000x896xf32, #tpu.memory_space<hbm>>) target(%arg8 : memref<16x896xf32, #tpu.memory_space<vmem>>) offsets(%dma_start3A_258 : memref<16xi32, #tpu.memory_space<vmem>>) semaphore(%arg18 : memref<!tpu.dma_semaphore, #tpu.memory_space<semaphore_mem>>)
        %dma_start3A_262 = tpu.memref_slice %arg7[%mul3A_257] : memref<1600xi32, #tpu.memory_space<vmem>> -> memref<16xi32, #tpu.memory_space<vmem>>
        %dma_start3A_263 = arith.constant 0 : i32
        %dma_start3A_264 = arith.constant 0 : i32
        %dma_start3A_265 = tpu.memref_slice %arg3[%dma_start3A_263, %dma_start3A_264] : memref<1000x128xf32, #tpu.memory_space<hbm>> -> memref<1000x128xf32, #tpu.memory_space<hbm>>
        tpu.enqueue_indirect_dma source(%dma_start3A_265 : memref<1000x128xf32, #tpu.memory_space<hbm>>) target(%arg13 : memref<16x128xf32, #tpu.memory_space<vmem>>) offsets(%dma_start3A_262 : memref<16xi32, #tpu.memory_space<vmem>>) semaphore(%arg18 : memref<!tpu.dma_semaphore, #tpu.memory_space<semaphore_mem>>)
      } else {
      }
      %mul3A_215 = arith.constant 5 : i32
      %mul3A_216 = arith.muli %scan3A_62, %mul3A_215 : i32
      %add3A_217 = arith.constant 4 : i32
      %add3A_218 = arith.addi %mul3A_216, %add3A_217 : i32
      %dma_wait3A_219 = arith.constant 0 : i32
      %dma_wait3A_220 = arith.constant 0 : i32
      %dma_wait3A_221 = tpu.memref_slice %arg2[%dma_wait3A_219, %dma_wait3A_220] : memref<1000x896xf32, #tpu.memory_space<hbm>> -> memref<16x896xf32, #tpu.memory_space<hbm>>
      %dma_wait3A_222 = arith.constant 0 : i32
      %dma_wait3A_223 = arith.constant 0 : i32
      %dma_wait3A_224 = tpu.memref_slice %arg2[%dma_wait3A_222, %dma_wait3A_223] : memref<1000x896xf32, #tpu.memory_space<hbm>> -> memref<16x896xf32, #tpu.memory_space<hbm>>
      tpu.wait_dma2 semaphore(%arg22 : memref<!tpu.dma_semaphore, #tpu.memory_space<semaphore_mem>>) src(%dma_wait3A_224 : memref<16x896xf32, #tpu.memory_space<hbm>>) dst(%arg12 : memref<16x896xf32, #tpu.memory_space<vmem>>)
      %dma_wait3A_225 = arith.constant 0 : i32
      %dma_wait3A_226 = arith.constant 0 : i32
      %dma_wait3A_227 = tpu.memref_slice %arg3[%dma_wait3A_225, %dma_wait3A_226] : memref<1000x128xf32, #tpu.memory_space<hbm>> -> memref<16x128xf32, #tpu.memory_space<hbm>>
      %dma_wait3A_228 = arith.constant 0 : i32
      %dma_wait3A_229 = arith.constant 0 : i32
      %dma_wait3A_230 = tpu.memref_slice %arg3[%dma_wait3A_228, %dma_wait3A_229] : memref<1000x128xf32, #tpu.memory_space<hbm>> -> memref<16x128xf32, #tpu.memory_space<hbm>>
      tpu.wait_dma2 semaphore(%arg22 : memref<!tpu.dma_semaphore, #tpu.memory_space<semaphore_mem>>) src(%dma_wait3A_230 : memref<16x128xf32, #tpu.memory_space<hbm>>) dst(%arg17 : memref<16x128xf32, #tpu.memory_space<vmem>>)
      %mul3A_231 = arith.constant 16 : i32
      %mul3A_232 = arith.muli %add3A_218, %mul3A_231 : i32
      %add3A_233 = arith.addi %mul3A_2, %mul3A_232 : i32
      %dma_start3A_234 = arith.constant 0 : i32
      %dma_start3A_235 = tpu.memref_slice %arg5[%add3A_233, %dma_start3A_234] : memref<51200x1000xf32, #tpu.memory_space<hbm>> -> memref<16x896xf32, #tpu.memory_space<hbm>>
      %dma_start3A_236 = arith.constant 0 : i32
      %dma_start3A_237 = tpu.memref_slice %arg5[%add3A_233, %dma_start3A_236] : memref<51200x1000xf32, #tpu.memory_space<hbm>> -> memref<16x896xf32, #tpu.memory_space<hbm>>
      tpu.enqueue_dma source(%arg12 : memref<16x896xf32, #tpu.memory_space<vmem>>) target(%dma_start3A_237 : memref<16x896xf32, #tpu.memory_space<hbm>>) target_semaphore(%arg27 : memref<!tpu.dma_semaphore, #tpu.memory_space<semaphore_mem>>)
      %dma_start3A_238 = arith.constant 0 : i32
      %dma_start3A_239 = tpu.memref_slice %arg6[%add3A_233, %dma_start3A_238] : memref<51200x128xf32, #tpu.memory_space<hbm>> -> memref<16x128xf32, #tpu.memory_space<hbm>>
      %dma_start3A_240 = arith.constant 0 : i32
      %dma_start3A_241 = tpu.memref_slice %arg6[%add3A_233, %dma_start3A_240] : memref<51200x128xf32, #tpu.memory_space<hbm>> -> memref<16x128xf32, #tpu.memory_space<hbm>>
      tpu.enqueue_dma source(%arg17 : memref<16x128xf32, #tpu.memory_space<vmem>>) target(%dma_start3A_241 : memref<16x128xf32, #tpu.memory_space<hbm>>) target_semaphore(%arg27 : memref<!tpu.dma_semaphore, #tpu.memory_space<semaphore_mem>>)
      %ge3A_242 = arith.constant 3 : i32
      %ge3A_243 = arith.cmpi sge, %add3A_218, %ge3A_242 : i32
      %convert_element_type3A_244 = arith.extui %ge3A_243 : i1 to i32
      %cond3A_245 = arith.constant 0 : i32
      %cond3A_246 = arith.cmpi ne, %convert_element_type3A_244, %cond3A_245 : i32
      scf.if %cond3A_246 {
        %dma_wait3A_254 = arith.constant 0 : i32
        %dma_wait3A_255 = arith.constant 0 : i32
        %dma_wait3A_256 = tpu.memref_slice %arg5[%dma_wait3A_254, %dma_wait3A_255] : memref<51200x1000xf32, #tpu.memory_space<hbm>> -> memref<16x896xf32, #tpu.memory_space<hbm>>
        %dma_wait3A_257 = arith.constant 0 : i32
        %dma_wait3A_258 = arith.constant 0 : i32
        %dma_wait3A_259 = tpu.memref_slice %arg5[%dma_wait3A_257, %dma_wait3A_258] : memref<51200x1000xf32, #tpu.memory_space<hbm>> -> memref<16x896xf32, #tpu.memory_space<hbm>>
        tpu.wait_dma2 semaphore(%arg24 : memref<!tpu.dma_semaphore, #tpu.memory_space<semaphore_mem>>) src(%arg9 : memref<16x896xf32, #tpu.memory_space<vmem>>) dst(%dma_wait3A_259 : memref<16x896xf32, #tpu.memory_space<hbm>>)
        %dma_wait3A_260 = arith.constant 0 : i32
        %dma_wait3A_261 = arith.constant 0 : i32
        %dma_wait3A_262 = tpu.memref_slice %arg6[%dma_wait3A_260, %dma_wait3A_261] : memref<51200x128xf32, #tpu.memory_space<hbm>> -> memref<16x128xf32, #tpu.memory_space<hbm>>
        %dma_wait3A_263 = arith.constant 0 : i32
        %dma_wait3A_264 = arith.constant 0 : i32
        %dma_wait3A_265 = tpu.memref_slice %arg6[%dma_wait3A_263, %dma_wait3A_264] : memref<51200x128xf32, #tpu.memory_space<hbm>> -> memref<16x128xf32, #tpu.memory_space<hbm>>
        tpu.wait_dma2 semaphore(%arg24 : memref<!tpu.dma_semaphore, #tpu.memory_space<semaphore_mem>>) src(%arg14 : memref<16x128xf32, #tpu.memory_space<vmem>>) dst(%dma_wait3A_265 : memref<16x128xf32, #tpu.memory_space<hbm>>)
      } else {
      }
      %add3A_247 = arith.constant 2 : i32
      %add3A_248 = arith.addi %add3A_218, %add3A_247 : i32
      %lt3A_249 = arith.constant 100 : i32
      %lt3A_250 = arith.cmpi slt, %add3A_248, %lt3A_249 : i32
      %convert_element_type3A_251 = arith.extui %lt3A_250 : i1 to i32
      %cond3A_252 = arith.constant 0 : i32
      %cond3A_253 = arith.cmpi ne, %convert_element_type3A_251, %cond3A_252 : i32
      scf.if %cond3A_253 {
        %add3A_254 = arith.constant 2 : i32
        %add3A_255 = arith.addi %add3A_218, %add3A_254 : i32
        %mul3A_256 = arith.constant 16 : i32
        %mul3A_257 = arith.muli %add3A_255, %mul3A_256 : i32
        %dma_start3A_258 = tpu.memref_slice %arg7[%mul3A_257] : memref<1600xi32, #tpu.memory_space<vmem>> -> memref<16xi32, #tpu.memory_space<vmem>>
        %dma_start3A_259 = arith.constant 0 : i32
        %dma_start3A_260 = arith.constant 0 : i32
        %dma_start3A_261 = tpu.memref_slice %arg2[%dma_start3A_259, %dma_start3A_260] : memref<1000x896xf32, #tpu.memory_space<hbm>> -> memref<1000x896xf32, #tpu.memory_space<hbm>>
        tpu.enqueue_indirect_dma source(%dma_start3A_261 : memref<1000x896xf32, #tpu.memory_space<hbm>>) target(%arg9 : memref<16x896xf32, #tpu.memory_space<vmem>>) offsets(%dma_start3A_258 : memref<16xi32, #tpu.memory_space<vmem>>) semaphore(%arg19 : memref<!tpu.dma_semaphore, #tpu.memory_space<semaphore_mem>>)
        %dma_start3A_262 = tpu.memref_slice %arg7[%mul3A_257] : memref<1600xi32, #tpu.memory_space<vmem>> -> memref<16xi32, #tpu.memory_space<vmem>>
        %dma_start3A_263 = arith.constant 0 : i32
        %dma_start3A_264 = arith.constant 0 : i32
        %dma_start3A_265 = tpu.memref_slice %arg3[%dma_start3A_263, %dma_start3A_264] : memref<1000x128xf32, #tpu.memory_space<hbm>> -> memref<1000x128xf32, #tpu.memory_space<hbm>>
        tpu.enqueue_indirect_dma source(%dma_start3A_265 : memref<1000x128xf32, #tpu.memory_space<hbm>>) target(%arg14 : memref<16x128xf32, #tpu.memory_space<vmem>>) offsets(%dma_start3A_262 : memref<16xi32, #tpu.memory_space<vmem>>) semaphore(%arg19 : memref<!tpu.dma_semaphore, #tpu.memory_space<semaphore_mem>>)
      } else {
      }
    }
    %scan3A_26 = arith.constant 20 : i32
    %dma_wait3A = arith.constant 0 : i32
    %dma_wait3A_27 = arith.constant 0 : i32
    %dma_wait3A_28 = tpu.memref_slice %arg5[%dma_wait3A, %dma_wait3A_27] : memref<51200x1000xf32, #tpu.memory_space<hbm>> -> memref<16x896xf32, #tpu.memory_space<hbm>>
    %dma_wait3A_29 = arith.constant 0 : i32
    %dma_wait3A_30 = arith.constant 0 : i32
    %dma_wait3A_31 = tpu.memref_slice %arg5[%dma_wait3A_29, %dma_wait3A_30] : memref<51200x1000xf32, #tpu.memory_space<hbm>> -> memref<16x896xf32, #tpu.memory_space<hbm>>
    tpu.wait_dma2 semaphore(%arg25 : memref<!tpu.dma_semaphore, #tpu.memory_space<semaphore_mem>>) src(%arg10 : memref<16x896xf32, #tpu.memory_space<vmem>>) dst(%dma_wait3A_31 : memref<16x896xf32, #tpu.memory_space<hbm>>)
    %dma_wait3A_32 = arith.constant 0 : i32
    %dma_wait3A_33 = arith.constant 0 : i32
    %dma_wait3A_34 = tpu.memref_slice %arg6[%dma_wait3A_32, %dma_wait3A_33] : memref<51200x128xf32, #tpu.memory_space<hbm>> -> memref<16x128xf32, #tpu.memory_space<hbm>>
    %dma_wait3A_35 = arith.constant 0 : i32
    %dma_wait3A_36 = arith.constant 0 : i32
    %dma_wait3A_37 = tpu.memref_slice %arg6[%dma_wait3A_35, %dma_wait3A_36] : memref<51200x128xf32, #tpu.memory_space<hbm>> -> memref<16x128xf32, #tpu.memory_space<hbm>>
    tpu.wait_dma2 semaphore(%arg25 : memref<!tpu.dma_semaphore, #tpu.memory_space<semaphore_mem>>) src(%arg15 : memref<16x128xf32, #tpu.memory_space<vmem>>) dst(%dma_wait3A_37 : memref<16x128xf32, #tpu.memory_space<hbm>>)
    %dma_wait3A_38 = arith.constant 0 : i32
    %dma_wait3A_39 = arith.constant 0 : i32
    %dma_wait3A_40 = tpu.memref_slice %arg5[%dma_wait3A_38, %dma_wait3A_39] : memref<51200x1000xf32, #tpu.memory_space<hbm>> -> memref<16x896xf32, #tpu.memory_space<hbm>>
    %dma_wait3A_41 = arith.constant 0 : i32
    %dma_wait3A_42 = arith.constant 0 : i32
    %dma_wait3A_43 = tpu.memref_slice %arg5[%dma_wait3A_41, %dma_wait3A_42] : memref<51200x1000xf32, #tpu.memory_space<hbm>> -> memref<16x896xf32, #tpu.memory_space<hbm>>
    tpu.wait_dma2 semaphore(%arg26 : memref<!tpu.dma_semaphore, #tpu.memory_space<semaphore_mem>>) src(%arg11 : memref<16x896xf32, #tpu.memory_space<vmem>>) dst(%dma_wait3A_43 : memref<16x896xf32, #tpu.memory_space<hbm>>)
    %dma_wait3A_44 = arith.constant 0 : i32
    %dma_wait3A_45 = arith.constant 0 : i32
    %dma_wait3A_46 = tpu.memref_slice %arg6[%dma_wait3A_44, %dma_wait3A_45] : memref<51200x128xf32, #tpu.memory_space<hbm>> -> memref<16x128xf32, #tpu.memory_space<hbm>>
    %dma_wait3A_47 = arith.constant 0 : i32
    %dma_wait3A_48 = arith.constant 0 : i32
    %dma_wait3A_49 = tpu.memref_slice %arg6[%dma_wait3A_47, %dma_wait3A_48] : memref<51200x128xf32, #tpu.memory_space<hbm>> -> memref<16x128xf32, #tpu.memory_space<hbm>>
    tpu.wait_dma2 semaphore(%arg26 : memref<!tpu.dma_semaphore, #tpu.memory_space<semaphore_mem>>) src(%arg16 : memref<16x128xf32, #tpu.memory_space<vmem>>) dst(%dma_wait3A_49 : memref<16x128xf32, #tpu.memory_space<hbm>>)
    %dma_wait3A_50 = arith.constant 0 : i32
    %dma_wait3A_51 = arith.constant 0 : i32
    %dma_wait3A_52 = tpu.memref_slice %arg5[%dma_wait3A_50, %dma_wait3A_51] : memref<51200x1000xf32, #tpu.memory_space<hbm>> -> memref<16x896xf32, #tpu.memory_space<hbm>>
    %dma_wait3A_53 = arith.constant 0 : i32
    %dma_wait3A_54 = arith.constant 0 : i32
    %dma_wait3A_55 = tpu.memref_slice %arg5[%dma_wait3A_53, %dma_wait3A_54] : memref<51200x1000xf32, #tpu.memory_space<hbm>> -> memref<16x896xf32, #tpu.memory_space<hbm>>
    tpu.wait_dma2 semaphore(%arg27 : memref<!tpu.dma_semaphore, #tpu.memory_space<semaphore_mem>>) src(%arg12 : memref<16x896xf32, #tpu.memory_space<vmem>>) dst(%dma_wait3A_55 : memref<16x896xf32, #tpu.memory_space<hbm>>)
    %dma_wait3A_56 = arith.constant 0 : i32
    %dma_wait3A_57 = arith.constant 0 : i32
    %dma_wait3A_58 = tpu.memref_slice %arg6[%dma_wait3A_56, %dma_wait3A_57] : memref<51200x128xf32, #tpu.memory_space<hbm>> -> memref<16x128xf32, #tpu.memory_space<hbm>>
    %dma_wait3A_59 = arith.constant 0 : i32
    %dma_wait3A_60 = arith.constant 0 : i32
    %dma_wait3A_61 = tpu.memref_slice %arg6[%dma_wait3A_59, %dma_wait3A_60] : memref<51200x128xf32, #tpu.memory_space<hbm>> -> memref<16x128xf32, #tpu.memory_space<hbm>>
    tpu.wait_dma2 semaphore(%arg27 : memref<!tpu.dma_semaphore, #tpu.memory_space<semaphore_mem>>) src(%arg17 : memref<16x128xf32, #tpu.memory_space<vmem>>) dst(%dma_wait3A_61 : memref<16x128xf32, #tpu.memory_space<hbm>>)
    return
  }
}

#map = affine_map<(d0, d1) -> (0)>
module attributes {stable_mosaic.version = 14 : i64} {
  func.func @k(%arg0: i32, %arg1: i32, %arg2: memref<1000008xf32, #tpu.memory_space<hbm>>, %arg3: memref<1000xf32, #tpu.memory_space<hbm>>, %arg4: memref<51200xi32, #tpu.memory_space<hbm>>, %arg5: memref<51200xi32, #tpu.memory_space<hbm>>, %arg6: memref<512xf32, #tpu.memory_space<hbm>>, %arg7: memref<1600xi32, #tpu.memory_space<vmem>>, %arg8: memref<1600xi32, #tpu.memory_space<vmem>>, %arg9: memref<1600xi32, #tpu.memory_space<vmem>>, %arg10: memref<1600xf32, #tpu.memory_space<vmem>>, %arg11: memref<1600xf32, #tpu.memory_space<vmem>>, %arg12: memref<16xf32, #tpu.memory_space<vmem>>, %arg13: memref<!tpu.dma_semaphore, #tpu.memory_space<semaphore_mem>>, %arg14: memref<!tpu.dma_semaphore, #tpu.memory_space<semaphore_mem>>) attributes {dimension_semantics = [#tpu.dimension_semantics<core_parallel>, #tpu.dimension_semantics<subcore_parallel>], iteration_bounds = array<i64: 2, 16>, scalar_prefetch = 0 : i64, scratch_operands = 8 : i64, tpu.core_type = #tpu.core_type<sc_vector_subcore>, window_params = [{transform_indices = #map}, {transform_indices = #map}, {transform_indices = #map}, {transform_indices = #map}, {transform_indices = #map}]} {
    %mul3A = arith.constant 2 : i32
    %mul3A_0 = arith.muli %arg1, %mul3A : i32
    %add3A = arith.addi %mul3A_0, %arg0 : i32
    %mul3A_1 = arith.constant 1600 : i32
    %mul3A_2 = arith.muli %add3A, %mul3A_1 : i32
    "tpu.region"() ({
      %run_scoped3A = tpu.sem_alloc : memref<!tpu.dma_semaphore, #tpu.memory_space<semaphore_mem>>
      %dma_start3A_58 = tpu.memref_slice %arg4[%mul3A_2] : memref<51200xi32, #tpu.memory_space<hbm>> -> memref<1600xi32, #tpu.memory_space<hbm>>
      %dma_start3A_59 = tpu.memref_slice %arg4[%mul3A_2] : memref<51200xi32, #tpu.memory_space<hbm>> -> memref<1600xi32, #tpu.memory_space<hbm>>
      tpu.enqueue_dma source(%dma_start3A_59 : memref<1600xi32, #tpu.memory_space<hbm>>) target(%arg7 : memref<1600xi32, #tpu.memory_space<vmem>>) target_semaphore(%run_scoped3A : memref<!tpu.dma_semaphore, #tpu.memory_space<semaphore_mem>>)
      %dma_wait3A_60 = tpu.memref_slice %arg4[%mul3A_2] : memref<51200xi32, #tpu.memory_space<hbm>> -> memref<1600xi32, #tpu.memory_space<hbm>>
      %dma_wait3A_61 = tpu.memref_slice %arg4[%mul3A_2] : memref<51200xi32, #tpu.memory_space<hbm>> -> memref<1600xi32, #tpu.memory_space<hbm>>
      tpu.wait_dma2 semaphore(%run_scoped3A : memref<!tpu.dma_semaphore, #tpu.memory_space<semaphore_mem>>) src(%dma_wait3A_61 : memref<1600xi32, #tpu.memory_space<hbm>>) dst(%arg7 : memref<1600xi32, #tpu.memory_space<vmem>>)
      tpu.yield
    }) : () -> ()
    "tpu.region"() ({
      %run_scoped3A = tpu.sem_alloc : memref<!tpu.dma_semaphore, #tpu.memory_space<semaphore_mem>>
      %dma_start3A_58 = tpu.memref_slice %arg5[%mul3A_2] : memref<51200xi32, #tpu.memory_space<hbm>> -> memref<1600xi32, #tpu.memory_space<hbm>>
      %dma_start3A_59 = tpu.memref_slice %arg5[%mul3A_2] : memref<51200xi32, #tpu.memory_space<hbm>> -> memref<1600xi32, #tpu.memory_space<hbm>>
      tpu.enqueue_dma source(%dma_start3A_59 : memref<1600xi32, #tpu.memory_space<hbm>>) target(%arg8 : memref<1600xi32, #tpu.memory_space<vmem>>) target_semaphore(%run_scoped3A : memref<!tpu.dma_semaphore, #tpu.memory_space<semaphore_mem>>)
      %dma_wait3A_60 = tpu.memref_slice %arg5[%mul3A_2] : memref<51200xi32, #tpu.memory_space<hbm>> -> memref<1600xi32, #tpu.memory_space<hbm>>
      %dma_wait3A_61 = tpu.memref_slice %arg5[%mul3A_2] : memref<51200xi32, #tpu.memory_space<hbm>> -> memref<1600xi32, #tpu.memory_space<hbm>>
      tpu.wait_dma2 semaphore(%run_scoped3A : memref<!tpu.dma_semaphore, #tpu.memory_space<semaphore_mem>>) src(%dma_wait3A_61 : memref<1600xi32, #tpu.memory_space<hbm>>) dst(%arg8 : memref<1600xi32, #tpu.memory_space<vmem>>)
      tpu.yield
    }) : () -> ()
    %scan3A = arith.constant 0 : i32
    %scan3A_3 = arith.constant 0 : i32
    %scan3A_4 = arith.constant 25 : i32
    %scan3A_5 = arith.addi %scan3A_3, %scan3A_4 : i32
    %scan3A_6 = arith.constant 1 : i32
    scf.for %scan3A_58 = %scan3A_3 to %scan3A_5 step %scan3A_6  : i32 {
      %mul3A_59 = arith.constant 64 : i32
      %mul3A_60 = arith.muli %scan3A_58, %mul3A_59 : i32
      %add3A_61 = arith.constant 0 : i32
      %add3A_62 = arith.addi %mul3A_60, %add3A_61 : i32
      %get3A = arith.index_cast %add3A_62 : i32 to index
      %get3A_63 = tpu.vector_load %arg7[%get3A] {strides = array<i32>} : memref<1600xi32, #tpu.memory_space<vmem>>, vector<16xi32>,
      %get3A_64 = vector.shape_cast %get3A_63 : vector<16xi32> to vector<16xi32>
      %mul3A_65 = arith.constant 1000 : i32
      %mul3A_66 = vector.broadcast %mul3A_65 : i32 to vector<16xi32>
      %mul3A_67 = arith.muli %get3A_64, %mul3A_66 : vector<16xi32>
      %get3A_68 = arith.index_cast %add3A_62 : i32 to index
      %get3A_69 = tpu.vector_load %arg8[%get3A_68] {strides = array<i32>} : memref<1600xi32, #tpu.memory_space<vmem>>, vector<16xi32>,
      %get3A_70 = vector.shape_cast %get3A_69 : vector<16xi32> to vector<16xi32>
      %add3A_71 = arith.addi %mul3A_67, %get3A_70 : vector<16xi32>
      %swap3A_72 = arith.index_cast %add3A_62 : i32 to index
      %swap3A_73 = tpu.vector_load %arg9[%swap3A_72] {strides = array<i32>} : memref<1600xi32, #tpu.memory_space<vmem>>, vector<16xi32>,
      %swap3A_74 = vector.shape_cast %swap3A_73 : vector<16xi32> to vector<16xi32>
      %swap3A_75 = vector.shape_cast %add3A_71 : vector<16xi32> to vector<16xi32>
      tpu.vector_store %arg9[%swap3A_72], %swap3A_75 {strides = array<i32>} : memref<1600xi32, #tpu.memory_space<vmem>>, vector<16xi32>,
      %add3A_76 = arith.constant 16 : i32
      %add3A_77 = arith.addi %mul3A_60, %add3A_76 : i32
      %get3A_78 = arith.index_cast %add3A_77 : i32 to index
      %get3A_79 = tpu.vector_load %arg7[%get3A_78] {strides = array<i32>} : memref<1600xi32, #tpu.memory_space<vmem>>, vector<16xi32>,
      %get3A_80 = vector.shape_cast %get3A_79 : vector<16xi32> to vector<16xi32>
      %mul3A_81 = arith.constant 1000 : i32
      %mul3A_82 = vector.broadcast %mul3A_81 : i32 to vector<16xi32>
      %mul3A_83 = arith.muli %get3A_80, %mul3A_82 : vector<16xi32>
      %get3A_84 = arith.index_cast %add3A_77 : i32 to index
      %get3A_85 = tpu.vector_load %arg8[%get3A_84] {strides = array<i32>} : memref<1600xi32, #tpu.memory_space<vmem>>, vector<16xi32>,
      %get3A_86 = vector.shape_cast %get3A_85 : vector<16xi32> to vector<16xi32>
      %add3A_87 = arith.addi %mul3A_83, %get3A_86 : vector<16xi32>
      %swap3A_88 = arith.index_cast %add3A_77 : i32 to index
      %swap3A_89 = tpu.vector_load %arg9[%swap3A_88] {strides = array<i32>} : memref<1600xi32, #tpu.memory_space<vmem>>, vector<16xi32>,
      %swap3A_90 = vector.shape_cast %swap3A_89 : vector<16xi32> to vector<16xi32>
      %swap3A_91 = vector.shape_cast %add3A_87 : vector<16xi32> to vector<16xi32>
      tpu.vector_store %arg9[%swap3A_88], %swap3A_91 {strides = array<i32>} : memref<1600xi32, #tpu.memory_space<vmem>>, vector<16xi32>,
      %add3A_92 = arith.constant 32 : i32
      %add3A_93 = arith.addi %mul3A_60, %add3A_92 : i32
      %get3A_94 = arith.index_cast %add3A_93 : i32 to index
      %get3A_95 = tpu.vector_load %arg7[%get3A_94] {strides = array<i32>} : memref<1600xi32, #tpu.memory_space<vmem>>, vector<16xi32>,
      %get3A_96 = vector.shape_cast %get3A_95 : vector<16xi32> to vector<16xi32>
      %mul3A_97 = arith.constant 1000 : i32
      %mul3A_98 = vector.broadcast %mul3A_97 : i32 to vector<16xi32>
      %mul3A_99 = arith.muli %get3A_96, %mul3A_98 : vector<16xi32>
      %get3A_100 = arith.index_cast %add3A_93 : i32 to index
      %get3A_101 = tpu.vector_load %arg8[%get3A_100] {strides = array<i32>} : memref<1600xi32, #tpu.memory_space<vmem>>, vector<16xi32>,
      %get3A_102 = vector.shape_cast %get3A_101 : vector<16xi32> to vector<16xi32>
      %add3A_103 = arith.addi %mul3A_99, %get3A_102 : vector<16xi32>
      %swap3A_104 = arith.index_cast %add3A_93 : i32 to index
      %swap3A_105 = tpu.vector_load %arg9[%swap3A_104] {strides = array<i32>} : memref<1600xi32, #tpu.memory_space<vmem>>, vector<16xi32>,
      %swap3A_106 = vector.shape_cast %swap3A_105 : vector<16xi32> to vector<16xi32>
      %swap3A_107 = vector.shape_cast %add3A_103 : vector<16xi32> to vector<16xi32>
      tpu.vector_store %arg9[%swap3A_104], %swap3A_107 {strides = array<i32>} : memref<1600xi32, #tpu.memory_space<vmem>>, vector<16xi32>,
      %add3A_108 = arith.constant 48 : i32
      %add3A_109 = arith.addi %mul3A_60, %add3A_108 : i32
      %get3A_110 = arith.index_cast %add3A_109 : i32 to index
      %get3A_111 = tpu.vector_load %arg7[%get3A_110] {strides = array<i32>} : memref<1600xi32, #tpu.memory_space<vmem>>, vector<16xi32>,
      %get3A_112 = vector.shape_cast %get3A_111 : vector<16xi32> to vector<16xi32>
      %mul3A_113 = arith.constant 1000 : i32
      %mul3A_114 = vector.broadcast %mul3A_113 : i32 to vector<16xi32>
      %mul3A_115 = arith.muli %get3A_112, %mul3A_114 : vector<16xi32>
      %get3A_116 = arith.index_cast %add3A_109 : i32 to index
      %get3A_117 = tpu.vector_load %arg8[%get3A_116] {strides = array<i32>} : memref<1600xi32, #tpu.memory_space<vmem>>, vector<16xi32>,
      %get3A_118 = vector.shape_cast %get3A_117 : vector<16xi32> to vector<16xi32>
      %add3A_119 = arith.addi %mul3A_115, %get3A_118 : vector<16xi32>
      %swap3A_120 = arith.index_cast %add3A_109 : i32 to index
      %swap3A_121 = tpu.vector_load %arg9[%swap3A_120] {strides = array<i32>} : memref<1600xi32, #tpu.memory_space<vmem>>, vector<16xi32>,
      %swap3A_122 = vector.shape_cast %swap3A_121 : vector<16xi32> to vector<16xi32>
      %swap3A_123 = vector.shape_cast %add3A_119 : vector<16xi32> to vector<16xi32>
      tpu.vector_store %arg9[%swap3A_120], %swap3A_123 {strides = array<i32>} : memref<1600xi32, #tpu.memory_space<vmem>>, vector<16xi32>,
    }
    %scan3A_7 = arith.constant 25 : i32
    %scan3A_8 = arith.constant 0 : i32
    %scan3A_9 = arith.constant 0 : i32
    %scan3A_10 = arith.constant 12 : i32
    %scan3A_11 = arith.addi %scan3A_9, %scan3A_10 : i32
    %scan3A_12 = arith.constant 1 : i32
    scf.for %scan3A_58 = %scan3A_9 to %scan3A_11 step %scan3A_12  : i32 {
      %mul3A_59 = arith.constant 128 : i32
      %mul3A_60 = arith.muli %scan3A_58, %mul3A_59 : i32
      %dma_start3A_61 = tpu.memref_slice %arg10[%mul3A_60] : memref<1600xf32, #tpu.memory_space<vmem>> -> memref<128xf32, #tpu.memory_space<vmem>>
      %dma_start3A_62 = tpu.memref_slice %arg9[%mul3A_60] : memref<1600xi32, #tpu.memory_space<vmem>> -> memref<128xi32, #tpu.memory_space<vmem>>
      %dma_start3A_63 = arith.constant 0 : i32
      %dma_start3A_64 = tpu.memref_slice %arg2[%dma_start3A_63] : memref<1000008xf32, #tpu.memory_space<hbm>> -> memref<1000008xf32, #tpu.memory_space<hbm>>
      tpu.enqueue_indirect_dma source(%dma_start3A_64 : memref<1000008xf32, #tpu.memory_space<hbm>>) target(%dma_start3A_61 : memref<128xf32, #tpu.memory_space<vmem>>) offsets(%dma_start3A_62 : memref<128xi32, #tpu.memory_space<vmem>>) semaphore(%arg13 : memref<!tpu.dma_semaphore, #tpu.memory_space<semaphore_mem>>)
      %dma_start3A_65 = tpu.memref_slice %arg11[%mul3A_60] : memref<1600xf32, #tpu.memory_space<vmem>> -> memref<128xf32, #tpu.memory_space<vmem>>
      %dma_start3A_66 = tpu.memref_slice %arg7[%mul3A_60] : memref<1600xi32, #tpu.memory_space<vmem>> -> memref<128xi32, #tpu.memory_space<vmem>>
      %dma_start3A_67 = arith.constant 0 : i32
      %dma_start3A_68 = tpu.memref_slice %arg3[%dma_start3A_67] : memref<1000xf32, #tpu.memory_space<hbm>> -> memref<1000xf32, #tpu.memory_space<hbm>>
      tpu.enqueue_indirect_dma source(%dma_start3A_68 : memref<1000xf32, #tpu.memory_space<hbm>>) target(%dma_start3A_65 : memref<128xf32, #tpu.memory_space<vmem>>) offsets(%dma_start3A_66 : memref<128xi32, #tpu.memory_space<vmem>>) semaphore(%arg14 : memref<!tpu.dma_semaphore, #tpu.memory_space<semaphore_mem>>)
    }
    %scan3A_13 = arith.constant 12 : i32
    %dma_start3A = arith.constant 1536 : i32
    %dma_start3A_14 = tpu.memref_slice %arg10[%dma_start3A] : memref<1600xf32, #tpu.memory_space<vmem>> -> memref<64xf32, #tpu.memory_space<vmem>>
    %dma_start3A_15 = arith.constant 1536 : i32
    %dma_start3A_16 = tpu.memref_slice %arg9[%dma_start3A_15] : memref<1600xi32, #tpu.memory_space<vmem>> -> memref<64xi32, #tpu.memory_space<vmem>>
    %dma_start3A_17 = arith.constant 0 : i32
    %dma_start3A_18 = tpu.memref_slice %arg2[%dma_start3A_17] : memref<1000008xf32, #tpu.memory_space<hbm>> -> memref<1000008xf32, #tpu.memory_space<hbm>>
    tpu.enqueue_indirect_dma source(%dma_start3A_18 : memref<1000008xf32, #tpu.memory_space<hbm>>) target(%dma_start3A_14 : memref<64xf32, #tpu.memory_space<vmem>>) offsets(%dma_start3A_16 : memref<64xi32, #tpu.memory_space<vmem>>) semaphore(%arg13 : memref<!tpu.dma_semaphore, #tpu.memory_space<semaphore_mem>>)
    %dma_start3A_19 = arith.constant 1536 : i32
    %dma_start3A_20 = tpu.memref_slice %arg11[%dma_start3A_19] : memref<1600xf32, #tpu.memory_space<vmem>> -> memref<64xf32, #tpu.memory_space<vmem>>
    %dma_start3A_21 = arith.constant 1536 : i32
    %dma_start3A_22 = tpu.memref_slice %arg7[%dma_start3A_21] : memref<1600xi32, #tpu.memory_space<vmem>> -> memref<64xi32, #tpu.memory_space<vmem>>
    %dma_start3A_23 = arith.constant 0 : i32
    %dma_start3A_24 = tpu.memref_slice %arg3[%dma_start3A_23] : memref<1000xf32, #tpu.memory_space<hbm>> -> memref<1000xf32, #tpu.memory_space<hbm>>
    tpu.enqueue_indirect_dma source(%dma_start3A_24 : memref<1000xf32, #tpu.memory_space<hbm>>) target(%dma_start3A_20 : memref<64xf32, #tpu.memory_space<vmem>>) offsets(%dma_start3A_22 : memref<64xi32, #tpu.memory_space<vmem>>) semaphore(%arg14 : memref<!tpu.dma_semaphore, #tpu.memory_space<semaphore_mem>>)
    %scan3A_25 = arith.constant 0 : i32
    %scan3A_26 = arith.constant 0 : i32
    %scan3A_27 = arith.constant 12 : i32
    %scan3A_28 = arith.addi %scan3A_26, %scan3A_27 : i32
    %scan3A_29 = arith.constant 1 : i32
    scf.for %scan3A_58 = %scan3A_26 to %scan3A_28 step %scan3A_29  : i32 {
      %mul3A_59 = arith.constant 128 : i32
      %mul3A_60 = arith.muli %scan3A_58, %mul3A_59 : i32
      %dma_wait3A_61 = tpu.memref_slice %arg10[%mul3A_60] : memref<1600xf32, #tpu.memory_space<vmem>> -> memref<128xf32, #tpu.memory_space<vmem>>
      %dma_wait3A_62 = arith.constant 0 : i32
      %dma_wait3A_63 = tpu.memref_slice %arg2[%dma_wait3A_62] : memref<1000008xf32, #tpu.memory_space<hbm>> -> memref<128xf32, #tpu.memory_space<hbm>>
      %dma_wait3A_64 = tpu.memref_slice %arg10[%mul3A_60] : memref<1600xf32, #tpu.memory_space<vmem>> -> memref<128xf32, #tpu.memory_space<vmem>>
      %dma_wait3A_65 = arith.constant 0 : i32
      %dma_wait3A_66 = tpu.memref_slice %arg2[%dma_wait3A_65] : memref<1000008xf32, #tpu.memory_space<hbm>> -> memref<128xf32, #tpu.memory_space<hbm>>
      tpu.wait_dma2 semaphore(%arg13 : memref<!tpu.dma_semaphore, #tpu.memory_space<semaphore_mem>>) src(%dma_wait3A_66 : memref<128xf32, #tpu.memory_space<hbm>>) dst(%dma_wait3A_64 : memref<128xf32, #tpu.memory_space<vmem>>)
      %dma_wait3A_67 = tpu.memref_slice %arg11[%mul3A_60] : memref<1600xf32, #tpu.memory_space<vmem>> -> memref<128xf32, #tpu.memory_space<vmem>>
      %dma_wait3A_68 = arith.constant 0 : i32
      %dma_wait3A_69 = tpu.memref_slice %arg3[%dma_wait3A_68] : memref<1000xf32, #tpu.memory_space<hbm>> -> memref<128xf32, #tpu.memory_space<hbm>>
      %dma_wait3A_70 = tpu.memref_slice %arg11[%mul3A_60] : memref<1600xf32, #tpu.memory_space<vmem>> -> memref<128xf32, #tpu.memory_space<vmem>>
      %dma_wait3A_71 = arith.constant 0 : i32
      %dma_wait3A_72 = tpu.memref_slice %arg3[%dma_wait3A_71] : memref<1000xf32, #tpu.memory_space<hbm>> -> memref<128xf32, #tpu.memory_space<hbm>>
      tpu.wait_dma2 semaphore(%arg14 : memref<!tpu.dma_semaphore, #tpu.memory_space<semaphore_mem>>) src(%dma_wait3A_72 : memref<128xf32, #tpu.memory_space<hbm>>) dst(%dma_wait3A_70 : memref<128xf32, #tpu.memory_space<vmem>>)
    }
    %scan3A_30 = arith.constant 12 : i32
    %dma_wait3A = arith.constant 1536 : i32
    %dma_wait3A_31 = tpu.memref_slice %arg10[%dma_wait3A] : memref<1600xf32, #tpu.memory_space<vmem>> -> memref<64xf32, #tpu.memory_space<vmem>>
    %dma_wait3A_32 = arith.constant 0 : i32
    %dma_wait3A_33 = tpu.memref_slice %arg2[%dma_wait3A_32] : memref<1000008xf32, #tpu.memory_space<hbm>> -> memref<64xf32, #tpu.memory_space<hbm>>
    %dma_wait3A_34 = arith.constant 1536 : i32
    %dma_wait3A_35 = tpu.memref_slice %arg10[%dma_wait3A_34] : memref<1600xf32, #tpu.memory_space<vmem>> -> memref<64xf32, #tpu.memory_space<vmem>>
    %dma_wait3A_36 = arith.constant 0 : i32
    %dma_wait3A_37 = tpu.memref_slice %arg2[%dma_wait3A_36] : memref<1000008xf32, #tpu.memory_space<hbm>> -> memref<64xf32, #tpu.memory_space<hbm>>
    tpu.wait_dma2 semaphore(%arg13 : memref<!tpu.dma_semaphore, #tpu.memory_space<semaphore_mem>>) src(%dma_wait3A_37 : memref<64xf32, #tpu.memory_space<hbm>>) dst(%dma_wait3A_35 : memref<64xf32, #tpu.memory_space<vmem>>)
    %dma_wait3A_38 = arith.constant 1536 : i32
    %dma_wait3A_39 = tpu.memref_slice %arg11[%dma_wait3A_38] : memref<1600xf32, #tpu.memory_space<vmem>> -> memref<64xf32, #tpu.memory_space<vmem>>
    %dma_wait3A_40 = arith.constant 0 : i32
    %dma_wait3A_41 = tpu.memref_slice %arg3[%dma_wait3A_40] : memref<1000xf32, #tpu.memory_space<hbm>> -> memref<64xf32, #tpu.memory_space<hbm>>
    %dma_wait3A_42 = arith.constant 1536 : i32
    %dma_wait3A_43 = tpu.memref_slice %arg11[%dma_wait3A_42] : memref<1600xf32, #tpu.memory_space<vmem>> -> memref<64xf32, #tpu.memory_space<vmem>>
    %dma_wait3A_44 = arith.constant 0 : i32
    %dma_wait3A_45 = tpu.memref_slice %arg3[%dma_wait3A_44] : memref<1000xf32, #tpu.memory_space<hbm>> -> memref<64xf32, #tpu.memory_space<hbm>>
    tpu.wait_dma2 semaphore(%arg14 : memref<!tpu.dma_semaphore, #tpu.memory_space<semaphore_mem>>) src(%dma_wait3A_45 : memref<64xf32, #tpu.memory_space<hbm>>) dst(%dma_wait3A_43 : memref<64xf32, #tpu.memory_space<vmem>>)
    %broadcast_in_dim3A = arith.constant 0.000000e+00 : f32
    %broadcast_in_dim3A_46 = vector.broadcast %broadcast_in_dim3A : f32 to vector<16xf32>
    %swap3A = arith.constant 0 : index
    %swap3A_47 = tpu.vector_load %arg12[%swap3A] {strides = array<i32>} : memref<16xf32, #tpu.memory_space<vmem>>, vector<16xf32>,
    %swap3A_48 = vector.shape_cast %swap3A_47 : vector<16xf32> to vector<16xf32>
    %swap3A_49 = vector.shape_cast %broadcast_in_dim3A_46 : vector<16xf32> to vector<16xf32>
    tpu.vector_store %arg12[%swap3A], %swap3A_49 {strides = array<i32>} : memref<16xf32, #tpu.memory_space<vmem>>, vector<16xf32>,
    %scan3A_50 = arith.constant 0 : i32
    %scan3A_51 = arith.constant 0 : i32
    %scan3A_52 = arith.constant 25 : i32
    %scan3A_53 = arith.addi %scan3A_51, %scan3A_52 : i32
    %scan3A_54 = arith.constant 1 : i32
    scf.for %scan3A_58 = %scan3A_51 to %scan3A_53 step %scan3A_54  : i32 {
      %mul3A_59 = arith.constant 64 : i32
      %mul3A_60 = arith.muli %scan3A_58, %mul3A_59 : i32
      %add3A_61 = arith.constant 0 : i32
      %add3A_62 = arith.addi %mul3A_60, %add3A_61 : i32
      %get3A = arith.constant 0 : index
      %get3A_63 = tpu.vector_load %arg12[%get3A] {strides = array<i32>} : memref<16xf32, #tpu.memory_space<vmem>>, vector<16xf32>,
      %get3A_64 = vector.shape_cast %get3A_63 : vector<16xf32> to vector<16xf32>
      %get3A_65 = arith.index_cast %add3A_62 : i32 to index
      %get3A_66 = tpu.vector_load %arg11[%get3A_65] {strides = array<i32>} : memref<1600xf32, #tpu.memory_space<vmem>>, vector<16xf32>,
      %get3A_67 = vector.shape_cast %get3A_66 : vector<16xf32> to vector<16xf32>
      %get3A_68 = arith.index_cast %add3A_62 : i32 to index
      %get3A_69 = tpu.vector_load %arg10[%get3A_68] {strides = array<i32>} : memref<1600xf32, #tpu.memory_space<vmem>>, vector<16xf32>,
      %get3A_70 = vector.shape_cast %get3A_69 : vector<16xf32> to vector<16xf32>
      %sub3A = arith.subf %get3A_67, %get3A_70 : vector<16xf32>
      %add3A_71 = arith.addf %get3A_64, %sub3A : vector<16xf32>
      %swap3A_72 = arith.constant 0 : index
      %swap3A_73 = tpu.vector_load %arg12[%swap3A_72] {strides = array<i32>} : memref<16xf32, #tpu.memory_space<vmem>>, vector<16xf32>,
      %swap3A_74 = vector.shape_cast %swap3A_73 : vector<16xf32> to vector<16xf32>
      %swap3A_75 = vector.shape_cast %add3A_71 : vector<16xf32> to vector<16xf32>
      tpu.vector_store %arg12[%swap3A_72], %swap3A_75 {strides = array<i32>} : memref<16xf32, #tpu.memory_space<vmem>>, vector<16xf32>,
      %add3A_76 = arith.constant 16 : i32
      %add3A_77 = arith.addi %mul3A_60, %add3A_76 : i32
      %get3A_78 = arith.constant 0 : index
      %get3A_79 = tpu.vector_load %arg12[%get3A_78] {strides = array<i32>} : memref<16xf32, #tpu.memory_space<vmem>>, vector<16xf32>,
      %get3A_80 = vector.shape_cast %get3A_79 : vector<16xf32> to vector<16xf32>
      %get3A_81 = arith.index_cast %add3A_77 : i32 to index
      %get3A_82 = tpu.vector_load %arg11[%get3A_81] {strides = array<i32>} : memref<1600xf32, #tpu.memory_space<vmem>>, vector<16xf32>,
      %get3A_83 = vector.shape_cast %get3A_82 : vector<16xf32> to vector<16xf32>
      %get3A_84 = arith.index_cast %add3A_77 : i32 to index
      %get3A_85 = tpu.vector_load %arg10[%get3A_84] {strides = array<i32>} : memref<1600xf32, #tpu.memory_space<vmem>>, vector<16xf32>,
      %get3A_86 = vector.shape_cast %get3A_85 : vector<16xf32> to vector<16xf32>
      %sub3A_87 = arith.subf %get3A_83, %get3A_86 : vector<16xf32>
      %add3A_88 = arith.addf %get3A_80, %sub3A_87 : vector<16xf32>
      %swap3A_89 = arith.constant 0 : index
      %swap3A_90 = tpu.vector_load %arg12[%swap3A_89] {strides = array<i32>} : memref<16xf32, #tpu.memory_space<vmem>>, vector<16xf32>,
      %swap3A_91 = vector.shape_cast %swap3A_90 : vector<16xf32> to vector<16xf32>
      %swap3A_92 = vector.shape_cast %add3A_88 : vector<16xf32> to vector<16xf32>
      tpu.vector_store %arg12[%swap3A_89], %swap3A_92 {strides = array<i32>} : memref<16xf32, #tpu.memory_space<vmem>>, vector<16xf32>,
      %add3A_93 = arith.constant 32 : i32
      %add3A_94 = arith.addi %mul3A_60, %add3A_93 : i32
      %get3A_95 = arith.constant 0 : index
      %get3A_96 = tpu.vector_load %arg12[%get3A_95] {strides = array<i32>} : memref<16xf32, #tpu.memory_space<vmem>>, vector<16xf32>,
      %get3A_97 = vector.shape_cast %get3A_96 : vector<16xf32> to vector<16xf32>
      %get3A_98 = arith.index_cast %add3A_94 : i32 to index
      %get3A_99 = tpu.vector_load %arg11[%get3A_98] {strides = array<i32>} : memref<1600xf32, #tpu.memory_space<vmem>>, vector<16xf32>,
      %get3A_100 = vector.shape_cast %get3A_99 : vector<16xf32> to vector<16xf32>
      %get3A_101 = arith.index_cast %add3A_94 : i32 to index
      %get3A_102 = tpu.vector_load %arg10[%get3A_101] {strides = array<i32>} : memref<1600xf32, #tpu.memory_space<vmem>>, vector<16xf32>,
      %get3A_103 = vector.shape_cast %get3A_102 : vector<16xf32> to vector<16xf32>
      %sub3A_104 = arith.subf %get3A_100, %get3A_103 : vector<16xf32>
      %add3A_105 = arith.addf %get3A_97, %sub3A_104 : vector<16xf32>
      %swap3A_106 = arith.constant 0 : index
      %swap3A_107 = tpu.vector_load %arg12[%swap3A_106] {strides = array<i32>} : memref<16xf32, #tpu.memory_space<vmem>>, vector<16xf32>,
      %swap3A_108 = vector.shape_cast %swap3A_107 : vector<16xf32> to vector<16xf32>
      %swap3A_109 = vector.shape_cast %add3A_105 : vector<16xf32> to vector<16xf32>
      tpu.vector_store %arg12[%swap3A_106], %swap3A_109 {strides = array<i32>} : memref<16xf32, #tpu.memory_space<vmem>>, vector<16xf32>,
      %add3A_110 = arith.constant 48 : i32
      %add3A_111 = arith.addi %mul3A_60, %add3A_110 : i32
      %get3A_112 = arith.constant 0 : index
      %get3A_113 = tpu.vector_load %arg12[%get3A_112] {strides = array<i32>} : memref<16xf32, #tpu.memory_space<vmem>>, vector<16xf32>,
      %get3A_114 = vector.shape_cast %get3A_113 : vector<16xf32> to vector<16xf32>
      %get3A_115 = arith.index_cast %add3A_111 : i32 to index
      %get3A_116 = tpu.vector_load %arg11[%get3A_115] {strides = array<i32>} : memref<1600xf32, #tpu.memory_space<vmem>>, vector<16xf32>,
      %get3A_117 = vector.shape_cast %get3A_116 : vector<16xf32> to vector<16xf32>
      %get3A_118 = arith.index_cast %add3A_111 : i32 to index
      %get3A_119 = tpu.vector_load %arg10[%get3A_118] {strides = array<i32>} : memref<1600xf32, #tpu.memory_space<vmem>>, vector<16xf32>,
      %get3A_120 = vector.shape_cast %get3A_119 : vector<16xf32> to vector<16xf32>
      %sub3A_121 = arith.subf %get3A_117, %get3A_120 : vector<16xf32>
      %add3A_122 = arith.addf %get3A_114, %sub3A_121 : vector<16xf32>
      %swap3A_123 = arith.constant 0 : index
      %swap3A_124 = tpu.vector_load %arg12[%swap3A_123] {strides = array<i32>} : memref<16xf32, #tpu.memory_space<vmem>>, vector<16xf32>,
      %swap3A_125 = vector.shape_cast %swap3A_124 : vector<16xf32> to vector<16xf32>
      %swap3A_126 = vector.shape_cast %add3A_122 : vector<16xf32> to vector<16xf32>
      tpu.vector_store %arg12[%swap3A_123], %swap3A_126 {strides = array<i32>} : memref<16xf32, #tpu.memory_space<vmem>>, vector<16xf32>,
    }
    %scan3A_55 = arith.constant 25 : i32
    %mul3A_56 = arith.constant 16 : i32
    %mul3A_57 = arith.muli %add3A, %mul3A_56 : i32
    "tpu.region"() ({
      %run_scoped3A = tpu.sem_alloc : memref<!tpu.dma_semaphore, #tpu.memory_space<semaphore_mem>>
      %dma_start3A_58 = tpu.memref_slice %arg6[%mul3A_57] : memref<512xf32, #tpu.memory_space<hbm>> -> memref<16xf32, #tpu.memory_space<hbm>>
      %dma_start3A_59 = tpu.memref_slice %arg6[%mul3A_57] : memref<512xf32, #tpu.memory_space<hbm>> -> memref<16xf32, #tpu.memory_space<hbm>>
      tpu.enqueue_dma source(%arg12 : memref<16xf32, #tpu.memory_space<vmem>>) target(%dma_start3A_59 : memref<16xf32, #tpu.memory_space<hbm>>) target_semaphore(%run_scoped3A : memref<!tpu.dma_semaphore, #tpu.memory_space<semaphore_mem>>)
      %dma_wait3A_60 = tpu.memref_slice %arg6[%mul3A_57] : memref<512xf32, #tpu.memory_space<hbm>> -> memref<16xf32, #tpu.memory_space<hbm>>
      %dma_wait3A_61 = tpu.memref_slice %arg6[%mul3A_57] : memref<512xf32, #tpu.memory_space<hbm>> -> memref<16xf32, #tpu.memory_space<hbm>>
      tpu.wait_dma2 semaphore(%run_scoped3A : memref<!tpu.dma_semaphore, #tpu.memory_space<semaphore_mem>>) src(%arg12 : memref<16xf32, #tpu.memory_space<vmem>>) dst(%dma_wait3A_61 : memref<16xf32, #tpu.memory_space<hbm>>)
      tpu.yield
    }) : () -> ()
    return
  }
}

module attributes {stable_mosaic.version = 14 : i64} {
  func.func @body(%arg0: memref<1000x1000xf32, #tpu.memory_space<vmem>>, %arg1: memref<1000xf32, #tpu.memory_space<vmem>>) attributes {dimension_semantics = [], scalar_prefetch = 0 : i64, scratch_operands = 0 : i64, tpu.core_type = #tpu.core_type<tc>} {
    %get3A = arith.constant 0 : index
    %get3A_0 = arith.constant 0 : index
    %get3A_1 = vector.load %arg0[%get3A, %get3A_0] : memref<1000x1000xf32, #tpu.memory_space<vmem>>, vector<1000x1000xf32>
    %reduce_max3A = arith.constant dense<0xFF800000> : vector<1000xf32>
    %reduce_max3A_2 = vector.multi_reduction <maximumf>, %get3A_1, %reduce_max3A [1] : vector<1000x1000xf32> to vector<1000xf32>
    %broadcast_in_dim3A = vector.shape_cast %reduce_max3A_2 : vector<1000xf32> to vector<1000x1xf32>
    %sub3A = vector.broadcast %broadcast_in_dim3A : vector<1000x1xf32> to vector<1000x1000xf32>
    %sub3A_3 = arith.subf %get3A_1, %sub3A : vector<1000x1000xf32>
    %exp3A = math.exp %sub3A_3 : vector<1000x1000xf32>
    %reduce_sum3A = arith.constant dense<0.000000e+00> : vector<1000xf32>
    %reduce_sum3A_4 = vector.multi_reduction <add>, %exp3A, %reduce_sum3A [1] : vector<1000x1000xf32> to vector<1000xf32>
    %log3A = math.log %reduce_sum3A_4 : vector<1000xf32>
    %add3A = arith.addf %log3A, %reduce_max3A_2 : vector<1000xf32>
    %swap3A = arith.constant 0 : index
    %swap3A_5 = vector.load %arg1[%swap3A] : memref<1000xf32, #tpu.memory_space<vmem>>, vector<1000xf32>
    tpu.vector_store %arg1[%swap3A], %add3A {strides = array<i32>} : memref<1000xf32, #tpu.memory_space<vmem>>, vector<1000xf32>,
    return
  }
}

</mosaic_0001>

<sc_bundles>
// kernel: kernel.5.cloned.1.call-start
scs
__scs_entry_jumppad:
0x0: {  	(pc) =	sbr.rel $0x88, $3  }
0x1: {  	(tag) =	ssettag $0x0;
	lr =	simm.s32 $0x1  }
0x2: {  	[smem:$0x3F9E] =	sst lr;
	_ =	strace $0xD0000000  }
0x3: {  	_ = 	snop  }
0x4: {  	_ = 	snop  }
0x5: {  	_ = 	snop  }
0x6: {  	_ = 	snop  }
0x7: {  	_ = 	snop  }
__scs_overlays_trampoline_lowered:
0x8: {  	[smem:$0x3FAD] =	sst s0  }
0x9: {  	[smem:$0x3FAE] =	sst s1  }
0xa: {  	[smem:$0x3FAF] =	sst s2  }
0xb: {  	[smem:$0x3FB0] =	sst s3  }
0xc: {  	[smem:$0x3FB1] =	sst s4  }
0xd: {  	[smem:$0x3FB2] =	sst s5  }
0xe: {  	[smem:$0x3FB3] =	sst s6  }
0xf: {  	[smem:$0x3FB4] =	sst s7  }
0x10: {  	[smem:$0x3FB5] =	sst s8  }
0x11: {  	[smem:$0x3FB6] =	sst s9;
	s0 =	simm.s32 @!p0 $0x0  }
0x12: {  	s1 =	sld [smem:$0x3F9C];
	s0 =	simm.s32 @p0 $0x1  }
0x13: {  	[smem:$0x3FB7] =	sst s0;
	s0 =	simm.s32 @!p1 $0x0  }
0x14: {  	s2 =	sld [smem:$0x3F9B];
	s0 =	simm.s32 @p1 $0x1  }
0x15: {  	[smem:$0x3FB8] =	sst s0;
	s0 =	simm.s32 @!p2 $0x0  }
0x16: {  	s3 =	sld [smem:$0x3FDB];
	s0 =	simm.s32 @p2 $0x1  }
0x17: {  	s4 =	simm.s32 $0x1BF5;
	[smem:$0x3FBA] =	sst s0  }
0x18: {  	s0 =	sld [smem:$0x3F9D];
	_ =	swait.ge [sflag:s4], $0x0  }
0x19: {  	s7 =	sld [smem:$0x3F9E]  }
0x1a: {  	s8 =	sadd.s32 $0xFFFFE003, lr  }
0x1b: {  	s9 =	sadd.s32 $0xFFFFFEF7, lr;
	s5 =	simm.s32 $0xFFFFFFFF;
	p2 =	slt.u32 s8, $0xFFFFF086  }
0x1c: {  	p1 =	slt.u32 s9, $0xF7A;
	s5 =	simm.s32 @!p2 $0x0  }
0x1d: {  	s5 =	simm.s32 @p1 $0x1;
	p0 =	seq.s32 s7, s2  }
0x1e: {  	s7 =	smul.u32 @!p0 $0xF7A, s2;
	p2 =	seq.s32 @!p0 s5, $0x0  }
0x1f: {  	s9 =	smul.u32 $0xF7A, s1;
	s8 =	simm.s32 @!p0 $0x1BF5;
	p2 =	por !p2, p0  }
0x20: {  	[sflag:s8] =	ssyncset.s32 @!p0 $0xFFFFF086;
	s6 =	sadd.s32 @!p0 s3, s7;
	s7 =	simm.s32 @!p0 $0x108  }
0x21: {  	s3 =	sadd.s32 s3, s9;
	s6 =	sadd.s32 @!p0 $0x88, s6;
	s7 =	simm.s32 @p2 $0x1082  }
0x22: {  	[simem:s7], [sflag:s8] =	dma.local @!p0 [hbm:s6], $0xF7A  }
0x23: {  	s9 =	sor.u32 $0xD0000000, s2;
	s6 =	simm.s32 $0x108;
	_ =	swait.ge @!p0 [sflag:s8], $0x0  }
0x24: {  	s3 =	sadd.s32 $0x88, s3;
	s6 =	simm.s32 @!p1 $0x1082;
	[sflag:s4] =	ssyncset.s32 $0xFFFFF086  }
0x25: {  	[simem:s6], [sflag:s4] =	dma.local [hbm:s3], $0xF7A  }
0x26: {  	[smem:$0x3F9E] =	sst s1;
	(tag) =	ssettag s2;
	_ =	strace s9  }
0x27: {  	s1 =	sld [smem:$0x3FAE]  }
0x28: {  	s2 =	sld [smem:$0x3FAF]  }
0x29: {  	s4 =	sld [smem:$0x3FB1]  }
0x2a: {  	p0 =	seq.s32 s5, $0x0;
	s5 =	sld [smem:$0x3FB2]  }
0x2b: {  	s6 =	sld [smem:$0x3FB3]  }
0x2c: {  	s7 =	sld [smem:$0x3FB4]  }
0x2d: {  	s3 =	simm.s32 $0x108;
	s8 =	sld [smem:$0x3FB5]  }
0x2e: {  	s3 =	simm.s32 @!p0 $0x1082;
	s9 =	sld [smem:$0x3FB6]  }
0x2f: {  	lr =	sadd.s32 s0, s3;
	s0 =	sld [smem:$0x3FAD]  }
0x30: {  	s3 =	sld [smem:$0x3FB0]  }
0x31: {  	[smem:$0x3FB9] =	sst s10  }
0x32: {  	s10 =	sld [smem:$0x3FB7];
	_ =	sdelay $0x3  }
0x33: {  	p0 =	seq.s32 s10, $0x1;
	s10 =	sld [smem:$0x3FB9];
	_ =	sdelay $0x3  }
0x34: {  	[smem:$0x3FB9] =	sst s10  }
0x35: {  	s10 =	sld [smem:$0x3FB8];
	_ =	sdelay $0x3  }
0x36: {  	p1 =	seq.s32 s10, $0x1;
	s10 =	sld [smem:$0x3FB9];
	_ =	sdelay $0x3  }
0x37: {  	[smem:$0x3FB9] =	sst s10  }
0x38: {  	s10 =	sld [smem:$0x3FBA]  }
0x39: {  	_ = 	snop;
	(pc) =	sbr.ind lr, $3  }
0x3a: {  	_ = 	snop  }
0x3b: {  	_ = 	snop  }
0x3c: {  	p2 =	seq.s32 s10, $0x1;
	s10 =	sld [smem:$0x3FB9]  }
0x3d: {  	_ =	shalt  }
0x3e: {  	_ =	shalt  }
0x3f: {  	_ =	shalt  }
0x40: {  	_ =	shalt  }
0x41: {  	_ =	shalt  }
0x42: {  	_ =	shalt  }
0x43: {  	_ =	shalt  }
0x44: {  	_ =	shalt  }
0x45: {  	_ =	shalt  }
0x46: {  	_ =	shalt  }
0x47: {  	_ =	shalt  }
0x48: {  	_ =	shalt  }
0x49: {  	_ =	shalt  }
0x4a: {  	_ =	shalt  }
0x4b: {  	_ =	shalt  }
0x4c: {  	_ =	shalt  }
0x4d: {  	_ =	shalt  }
0x4e: {  	_ =	shalt  }
0x4f: {  	_ =	shalt  }
0x50: {  	_ =	shalt  }
0x51: {  	_ =	shalt  }
0x52: {  	_ =	shalt  }
0x53: {  	_ =	shalt  }
0x54: {  	_ =	shalt  }
0x55: {  	_ =	shalt  }
0x56: {  	_ =	shalt  }
0x57: {  	_ =	shalt  }
0x58: {  	_ =	shalt  }
0x59: {  	_ =	shalt  }
0x5a: {  	_ =	shalt  }
0x5b: {  	_ =	shalt  }
0x5c: {  	_ =	shalt  }
0x5d: {  	_ =	shalt  }
0x5e: {  	_ =	shalt  }
0x5f: {  	_ =	shalt  }
0x60: {  	_ =	shalt  }
0x61: {  	_ =	shalt  }
0x62: {  	_ =	shalt  }
0x63: {  	_ =	shalt  }
0x64: {  	_ =	shalt  }
0x65: {  	_ =	shalt  }
0x66: {  	_ =	shalt  }
0x67: {  	_ =	shalt  }
0x68: {  	_ =	shalt  }
0x69: {  	_ =	shalt  }
0x6a: {  	_ =	shalt  }
0x6b: {  	_ =	shalt  }
0x6c: {  	_ =	shalt  }
0x6d: {  	_ =	shalt  }
0x6e: {  	_ =	shalt  }
0x6f: {  	_ =	shalt  }
0x70: {  	_ =	shalt  }
0x71: {  	_ =	shalt  }
0x72: {  	_ =	shalt  }
0x73: {  	_ =	shalt  }
0x74: {  	_ =	shalt  }
0x75: {  	_ =	shalt  }
0x76: {  	_ =	shalt  }
0x77: {  	_ =	shalt  }
0x78: {  	_ =	shalt  }
0x79: {  	_ =	shalt  }
0x7a: {  	_ =	shalt  }
0x7b: {  	_ =	shalt  }
0x7c: {  	_ =	shalt  }
0x7d: {  	_ =	shalt  }
0x7e: {  	_ =	shalt  }
0x7f: {  	_ =	shalt  }
0x80: {  	_ =	shalt  }
0x81: {  	_ =	shalt  }
0x82: {  	_ =	shalt  }
0x83: {  	_ =	shalt  }
0x84: {  	_ =	shalt  }
0x85: {  	_ =	shalt  }
0x86: {  	_ =	shalt  }
0x87: {  	_ =	shalt  }
.Lfunc_end0:
.L_simem_size_0:
called_computation.1_lowered:
.L_overlay_start_0:
0x88: {  	s2 =	sld [smem:$0x3FD9]  }
0x89: {  	s3 =	sld [smem:$0x3FFE];
	_ =	sdelay $0x1  }
0x8a: {  	s1 =	srdreg.scid  }
0x8b: {  	s0 =	sand.u32 $0x1, s1  }
0x8c: {  	s17 =	sshll.u32 s0, $0xA;
	s2 =	sadd.s32 s3, s2  }
0x8d: {  	s2 =	sadd.s32 s2, s17  }
0x8e: {  	[smem:$0x3FC5] =	sst s2  }
0x8f: {  	_ = 	snop  }
0x90: {  	(tm) =	ssettm $0x1  }
0x91: {  	s18 =	sld [smem:$0x3FFB];
	_ =	sdelay $0x3  }
0x92: {  	_ =	strace s18  }
0x93: {  	s2 =	sld [smem:$0x3FFC];
	_ =	sdelay $0x3  }
0x94: {  	_ =	strace s2  }
0x95: {  	s2 =	sld [smem:$0x3FFD];
	_ =	sdelay $0x3  }
0x96: {  	_ =	strace s2  }
0x97: {  	_ =	strace $0x8FFFFFFF  }
0x98: {  	s19 =	sld [smem:$0x3FDB];
	_ =	sdelay $0x1  }
0x99: {  	s20 =	simm.s32 $_scs_section_size  }
0x9a: {  	s4 =	simm.s32 $_size__tile_overlayer_lowered;
	s5 =	simm.s32 $_tile_overlayer_lowered  }
0x9b: {  	s6 =	simm.s32 $0x1BFF;
	s21 =	sshll.u32 s5, $0x1;
	s3 =	sadd.s32 s20, s19  }
0x9c: {  	s22 =	simm.s32 $0x0;
	s4 =	sshll.u32 s4, $0x1;
	s5 =	sadd.s32 s21, s3  }
0x9d: {  	[timem:s22], [sflag:s6] =	dma.local [hbm:s5], s4  }
0x9e: {  	_ =	swait.ge [sflag:s6], s4  }
0x9f: {  	s4 =	ssub.s32 $0x0, s4;
	[sflag:s6] =	ssyncset.done $0x0  }
0xa0: {  	[sflag:s6] =	ssyncadd.s32 s4;
	_ =	sdelay $0x1  }
0xa1: {  	s23 =	simm.s32 $0x1B8B  }
0xa2: {  	_ =	swait.ge [sflag:s23], $0x1  }
0xa3: {  	[sflag:s23] =	ssyncset.done $0x0  }
0xa4: {  	[sflag:s23] =	ssyncadd.s32 $0xFFFFFFFF  }
0xa5: {  	s4 =	sld [smem:$0x0]  }
0xa6: {  	s5 =	sand.u32 $0xFFFFFFFE, s1  }
0xa7: {  	p0 =	sne.s32 s1, s5  }
0xa8: {  	s5 =	sshll.u32 @p0 s5, $0xE  }
0xa9: {  	s5 =	sadd.s32 @p0 $0x11B8D, s5;
	s6 =	sshll.u32 @p0 s4, $0x11  }
0xaa: {  	s5 =	sor.u32 @p0 s6, s5  }
0xab: {  	[sflag:s5] =	ssyncadd.remote.s32 @p0 $0x1;
	_ =	sdelay $0x1  }
0xac: {  	s5 =	simm.s32 @p0 $0x1B8D  }
0xad: {  	_ =	swait.eq @p0 [sflag:s5], $0x1  }
0xae: {  	[sflag:s5] =	ssyncadd.s32 @p0 $0xFFFFFFFF  }
0xaf: {  	s6 =	sshll.u32 @!p0 s1, $0xE  }
0xb0: {  	s6 =	sor.u32 @!p0 $0x4000, s6;
	s5 =	simm.s32 @!p0 $0x1B8D  }
0xb1: {  	s4 =	sshll.u32 @!p0 s4, $0x11;
	s6 =	sadd.s32 @!p0 $0x11B8D, s6;
	_ =	swait.eq @!p0 [sflag:s5], $0x1  }
0xb2: {  	s4 =	sor.u32 @!p0 s4, s6;
	[sflag:s5] =	ssyncadd.s32 @!p0 $0xFFFFFFFF  }
0xb3: {  	s25 =	simm.s32 $0x1B8E;
	s24 =	sld [smem:$0x3FFE];
	[sflag:s4] =	ssyncadd.remote.s32 @!p0 $0x1  }
0xb4: {  	s26 =	simm.s32 $execute0_lowered;
	[smem:$0x3FD2] =	sst s25  }
0xb5: {  	s5 =	sshll.u32 s26, $0x1;
	_ =	strace $0x80000049;
	[dreg:$0x1] =	wrdreg $0xFFFFFFFF  }
0xb6: {  	s28 =	simm.s32 $_size_execute0_lowered;
	s3 =	sadd.s32 s3, s5;
	[dreg:$0x0] =	wrdreg $0x0  }
0xb7: {  	s5 =	sshll.u32 s28, $0x1;
	[dreg:$0x2] =	wrdreg s3  }
0xb8: {  	[dreg:$0x3] =	wrdreg s5  }
0xb9: {  	[dreg:$0x4] =	wrdreg $0xC0  }
0xba: {  	_ =	task [dreg:s22], $0x5FFFF  }
0xbb: {  	[dreg:$0x1] =	wrdreg $0xFFFFFFFF  }
0xbc: {  	[dreg:$0x0] =	wrdreg $0x60  }
0xbd: {  	[dreg:$0x2] =	wrdreg s24  }
0xbe: {  	[dreg:$0x3] =	wrdreg $0x9  }
0xbf: {  	_ =	task.clear_ibuf [dreg:s22], $0x4FFFF;
	_ =	strace $0x90000049  }
0xc0: {  	s29 =	simm.s32 $0x9;
	_ =	strace $0x8000004B  }
0xc1: {  	_ =	swait.ge [sflag:s29], $0x1  }
0xc2: {  	[sflag:s29] =	ssyncadd.s32 $0xFFFFFFFF  }
0xc3: {  	_ =	strace $0x9000004B  }
0xc4: {  	_ =	sfence  }
0xc5: {  	s30 =	sld [smem:$0x0];
	_ =	sdelay $0x2  }
0xc6: {  	s31 =	sshll.u32 s1, $0xD;
	s1 =	sshrl.u32 s1, $0x2  }
0xc7: {  	s4 =	sand.u32 $0x4000, s31;
	s1 =	sadd.s32 s1, s30  }
0xc8: {  	s0 =	sor.u32 s4, s0;
	s1 =	sshll.u32 s1, $0x11  }
0xc9: {  	s0 =	sor.u32 s1, s0  }
0xca: {  	s0 =	sadd.s32 $0x8F2B, s0  }
0xcb: {  	[sflag:s0] =	ssyncadd.remote.s32 $0x1  }
0xcc: {  	_ =	sfence.sel $0xFFFF  }
0xcd: {  	[dreg:$0x0] =	wrdreg $0xFFFFFFFF;
	(pc) =	sbr.abs _section_cstart, $3  }
0xce: {  	[dreg:$0x1] =	wrdreg $0xFFFFFFFF  }
0xcf: {  	_ =	task.clear_ibuf [dreg:s22], $0x2FFFF;
	_ =	strace $0x9FFFFFFF  }
0xd0: {  	(tm) =	ssettm $0x7FFFFFFF  }
0xd1: {  	_ =	shalt  }
tec
execute0_lowered:
.L_overlay_start_1:
0x0: {  	(tag) =	ssettag $0x1  }
0x1: {  	s0 =	rddreg [dreg:$0x0]  }
0x2: {  	s2 =	simm.s32 $0x0;
	s1 =	srdreg.scid;
	s3 =	stileid.u32  }
0x3: {  	s9 =	simm.s32 $0x3;
	s11 =	simm.s32 $0x80;
	s28 =	simm.s32 $0x1D80  }
0x4: {  	s29 =	simm.s32 $0x1180;
	s30 =	simm.s32 $0x17C0;
	s31 =	simm.s32 $0x500  }
0x5: {  	s10 =	simm.s32 $0x1840;
	s12 =	simm.s32 $0x580;
	s13 =	simm.s32 $0x1E80  }
0x6: {  	s14 =	simm.s32 $0x40;
	s15 =	simm.s32 $0x1280;
	s16 =	simm.s32 $0x18C0  }
0x7: {  	s17 =	simm.s32 $0x600;
	s18 =	simm.s32 $0x1F00;
	s19 =	simm.s32 $0x1  }
0x8: {  	s20 =	simm.s32 $0x2;
	s21 =	simm.s32 $0x1F40;
	s22 =	simm.s32 $0x0  }
0x9: {  	[smem:$0x7FF] =	sst s2;
	s1 =	sand.u32 $0x1, s1;
	s3 =	sshll.u32 s3, $0x1  }
0xa: {  	s4 =	sadd.s32 $0x662200, s0;
	s5 =	sor.u32 s1, s3;
	s1 =	ssub.s32 $0x2, s1  }
0xb: {  	_ =	strace $0x8000004A;
	s6 =	smul.u32 $0xC8, s5;
	s26 =	sshrl.u32 s1, $0x1  }
0xc: {  	s3 =	sadd.s32 $0x663E00, s0;
	s5 =	sshll.u32 s5, $0x1;
	s1 =	ssub.s32 s1, s26  }
0xd: {  	s26 =	simm.s32 $0x480;
	s6 =	sadd.s32 s6, s0;
	s0 =	sadd.s32 s5, s0  }
0xe: {  	s8 =	smax.u32 s1, $0x1;
	s5 =	sadd.s32 $0x1C800, s6;
	s6 =	sadd.s32 $0x662400, s6  }
0xf: {  	s1 =	simm.s32 $0x1200;
	s7 =	sadd.s32 $0x682800, s0;
	s0 =	simm.s32 $0x1E00  }
.LBB2_1:
0x10: {  	[tilespmem:s2], [sflag:$0x3] =	stream.linear.gather [hbm4b:s5+s2], $0x640, $0x38;
	[tilespmem:$0x1F50] =	vst v63  }
0x11: {  	_ =	swait.ge [sflag:s9], $0x640  }
0x12: {  	[sflag:s9] =	ssyncset.done $0x0  }
0x13: {  	s23 =	simm.s32 $0x640;
	[sflag:s9] =	ssyncadd.s32 $0xFFFFF9C0  }
0x14: {  	[tilespmem:s23], [sflag:$0x3] =	stream.linear.gather [hbm4b:s6+s2], $0x640, $0x38;
	[tilespmem:$0x1F50] =	vst v63  }
0x15: {  	_ =	swait.ge [sflag:s9], $0x640  }
0x16: {  	[sflag:s9] =	ssyncset.done $0x0  }
0x17: {  	s23 =	simm.s32 $0x0;
	[sflag:s9] =	ssyncadd.s32 $0xFFFFF9C0  }
0x18: {  	v3 =	vld [tilespmem:s23+$0x30]  }
0x19: {  	v4 =	vld [tilespmem:s23+$0x0]  }
0x1a: {  	v6 =	vld [tilespmem:s23+$0x670]  }
0x1b: {  	v1 =	vld [tilespmem:s23+$0x10]  }
0x1c: {  	v0 =	vld [tilespmem:s23+$0x20]  }
0x1d: {  	v2 =	vld [tilespmem:s23+$0x640];
	v7 =	vmul.u32 $0x3E8, v3  }
0x1e: {  	v3 =	vld [tilespmem:s23+$0x650]  }
0x1f: {  	s24 =	simm.s32 $0x40;
	s25 =	simm.s32 $0x200;
	v5 =	vmul.u32 $0x3E8, v4;
	v4 =	vld [tilespmem:s23+$0x660];
	v6 =	vadd.s32 v6, v7  }
.LBB2_2:
0x20: {  	p0 =	sne.s32 s25, $0x1800;
	v7 =	vld [tilespmem:s24+$0x30];
	v8 =	vmul.u32 $0x3E8, v1;
	[tilespmem:s23+$0xCB0] =	vst v6  }
0x21: {  	v6 =	vld [tilespmem:s24+$0x0];
	v9 =	vmul.u32 $0x3E8, v0  }
0x22: {  	v10 =	vld [tilespmem:s24+$0x670];
	v0 =	vadd.s32 v2, v5  }
.Ltmp0:
0x23: {  	v1 =	vld [tilespmem:s24+$0x10];
	[tilespmem:s23+$0xC80] =	vst v0;
	v2 =	vadd.s32 v3, v8;
	(pc) =	sbr.rel @p0 .LBB2_2-.Ltmp0, $4  }
0x24: {  	v0 =	vld [tilespmem:s24+$0x20];
	[tilespmem:s23+$0xC90] =	vst v2;
	v3 =	vadd.s32 v4, v9  }
0x25: {  	v2 =	vld [tilespmem:s24+$0x640];
	v7 =	vmul.u32 $0x3E8, v7;
	[tilespmem:s23+$0xCA0] =	vst v3;
	s23 =	smov.u32 s24  }
0x26: {  	v5 =	vmul.u32 $0x3E8, v6;
	v3 =	vld [tilespmem:s23+$0x650]  }
0x27: {  	s24 =	sshra.s32 s25, $0x2;
	s25 =	sadd.s32 $0x100, s25;
	v4 =	vld [tilespmem:s23+$0x660];
	v6 =	vadd.s32 v10, v7  }
0x28: {  	v7 =	vld [tilespmem:s24+$0x30];
	[tilespmem:s23+$0xCB0] =	vst v6  }
0x29: {  	v1 =	vmul.u32 $0x3E8, v1;
	v6 =	vld [tilespmem:s24+$0x0]  }
0x2a: {  	v8 =	vld [tilespmem:s24+$0x670];
	v0 =	vmul.u32 $0x3E8, v0;
	v2 =	vadd.s32 v2, v5  }
0x2b: {  	v62 =	vld [tilespmem:s24+$0x10];
	[tilespmem:s23+$0xC80] =	vst v2;
	v1 =	vadd.s32 v3, v1  }
0x2c: {  	v2 =	vld [tilespmem:s24+$0x20];
	[tilespmem:s23+$0xC90] =	vst v1;
	v0 =	vadd.s32 v4, v0  }
0x2d: {  	v1 =	vld [tilespmem:s24+$0x640];
	[tilespmem:s23+$0xCA0] =	vst v0  }
0x2e: {  	v0 =	vld [tilespmem:s24+$0x650]  }
0x2f: {  	v3 =	vmul.u32 $0x3E8, v7;
	v63 =	vld [tilespmem:s24+$0x660]  }
0x30: {  	v6 =	vmul.u32 $0x3E8, v6  }
0x31: {  	v5 =	vmul.u32 $0x3E8, v62;
	v3 =	vadd.s32 v8, v3  }
0x32: {  	[tilespmem:s24+$0xCB0] =	vst v3;
	v2 =	vmul.u32 $0x3E8, v2;
	v1 =	vadd.s32 v1, v6  }
0x33: {  	[tilespmem:s24+$0xC80] =	vst v1;
	v0 =	vadd.s32 v0, v5  }
0x34: {  	[tilespmem:s24+$0xC90] =	vst v0;
	v0 =	vadd.s32 v63, v2  }
0x35: {  	s25 =	simm.s32 $0x12C0;
	[tilespmem:s24+$0xCA0] =	vst v0;
	s24 =	simm.s32 $0xC80  }
0x36: {  	[tilespmem:s25], [sflag:$0x1] =	stream.indirect.gather [hbm4b:s3+s11], $0x1, s24, s11, $0xb8;
	[tilespmem:$0x1F50] =	vst v63  }
0x37: {  	s24 =	simm.s32 $0x0;
	s25 =	simm.s32 $0x1900  }
0x38: {  	[tilespmem:s25], [sflag:$0x2] =	stream.indirect.gather [hbm4b:s4+s11], $0x1, s24, s11, $0xb8;
	[tilespmem:$0x1F50] =	vst v63  }
0x39: {  	s24 =	simm.s32 $0xD00;
	s25 =	simm.s32 $0x1340  }
0x3a: {  	[tilespmem:s25], [sflag:$0x1] =	stream.indirect.gather [hbm4b:s3+s11], $0x1, s24, s11, $0xb8;
	[tilespmem:$0x1F50] =	vst v63  }
0x3b: {  	s25 =	simm.s32 $0x1980  }
0x3c: {  	[tilespmem:s25], [sflag:$0x2] =	stream.indirect.gather [hbm4b:s4+s11], $0x1, s11, s11, $0xb8;
	[tilespmem:$0x1F50] =	vst v63  }
0x3d: {  	s24 =	simm.s32 $0xD80;
	s25 =	simm.s32 $0x13C0  }
0x3e: {  	[tilespmem:s25], [sflag:$0x1] =	stream.indirect.gather [hbm4b:s3+s11], $0x1, s24, s11, $0xb8;
	[tilespmem:$0x1F50] =	vst v63  }
0x3f: {  	s24 =	simm.s32 $0x100;
	s25 =	simm.s32 $0x1A00  }
0x40: {  	[tilespmem:s25], [sflag:$0x2] =	stream.indirect.gather [hbm4b:s4+s11], $0x1, s24, s11, $0xb8;
	[tilespmem:$0x1F50] =	vst v63  }
0x41: {  	s24 =	simm.s32 $0xE00;
	s25 =	simm.s32 $0x1440  }
0x42: {  	[tilespmem:s25], [sflag:$0x1] =	stream.indirect.gather [hbm4b:s3+s11], $0x1, s24, s11, $0xb8;
	[tilespmem:$0x1F50] =	vst v63  }
0x43: {  	s24 =	simm.s32 $0x180;
	s25 =	simm.s32 $0x1A80  }
0x44: {  	[tilespmem:s25], [sflag:$0x2] =	stream.indirect.gather [hbm4b:s4+s11], $0x1, s24, s11, $0xb8;
	[tilespmem:$0x1F50] =	vst v63  }
0x45: {  	s24 =	simm.s32 $0xE80;
	s25 =	simm.s32 $0x14C0  }
0x46: {  	[tilespmem:s25], [sflag:$0x1] =	stream.indirect.gather [hbm4b:s3+s11], $0x1, s24, s11, $0xb8;
	[tilespmem:$0x1F50] =	vst v63  }
0x47: {  	s24 =	simm.s32 $0x200;
	s25 =	simm.s32 $0x1B00  }
0x48: {  	[tilespmem:s25], [sflag:$0x2] =	stream.indirect.gather [hbm4b:s4+s11], $0x1, s24, s11, $0xb8;
	[tilespmem:$0x1F50] =	vst v63  }
0x49: {  	s24 =	simm.s32 $0xF00;
	s25 =	simm.s32 $0x1540  }
0x4a: {  	[tilespmem:s25], [sflag:$0x1] =	stream.indirect.gather [hbm4b:s3+s11], $0x1, s24, s11, $0xb8;
	[tilespmem:$0x1F50] =	vst v63  }
0x4b: {  	s24 =	simm.s32 $0x280;
	s25 =	simm.s32 $0x1B80  }
0x4c: {  	[tilespmem:s25], [sflag:$0x2] =	stream.indirect.gather [hbm4b:s4+s11], $0x1, s24, s11, $0xb8;
	[tilespmem:$0x1F50] =	vst v63  }
0x4d: {  	s24 =	simm.s32 $0xF80;
	s25 =	simm.s32 $0x15C0  }
0x4e: {  	[tilespmem:s25], [sflag:$0x1] =	stream.indirect.gather [hbm4b:s3+s11], $0x1, s24, s11, $0xb8;
	[tilespmem:$0x1F50] =	vst v63  }
0x4f: {  	s24 =	simm.s32 $0x300;
	s25 =	simm.s32 $0x1C00  }
0x50: {  	[tilespmem:s25], [sflag:$0x2] =	stream.indirect.gather [hbm4b:s4+s11], $0x1, s24, s11, $0xb8;
	[tilespmem:$0x1F50] =	vst v63  }
0x51: {  	s24 =	simm.s32 $0x1000;
	s25 =	simm.s32 $0x1640  }
0x52: {  	[tilespmem:s25], [sflag:$0x1] =	stream.indirect.gather [hbm4b:s3+s11], $0x1, s24, s11, $0xb8;
	[tilespmem:$0x1F50] =	vst v63  }
0x53: {  	s24 =	simm.s32 $0x380;
	s25 =	simm.s32 $0x1C80  }
0x54: {  	[tilespmem:s25], [sflag:$0x2] =	stream.indirect.gather [hbm4b:s4+s11], $0x1, s24, s11, $0xb8;
	[tilespmem:$0x1F50] =	vst v63  }
0x55: {  	s24 =	simm.s32 $0x1080;
	s25 =	simm.s32 $0x16C0  }
0x56: {  	[tilespmem:s25], [sflag:$0x1] =	stream.indirect.gather [hbm4b:s3+s11], $0x1, s24, s11, $0xb8;
	[tilespmem:$0x1F50] =	vst v63  }
0x57: {  	s24 =	simm.s32 $0x400;
	s25 =	simm.s32 $0x1D00  }
0x58: {  	[tilespmem:s25], [sflag:$0x2] =	stream.indirect.gather [hbm4b:s4+s11], $0x1, s24, s11, $0xb8;
	[tilespmem:$0x1F50] =	vst v63  }
0x59: {  	s24 =	simm.s32 $0x1100;
	s25 =	simm.s32 $0x1740  }
0x5a: {  	[tilespmem:s25], [sflag:$0x1] =	stream.indirect.gather [hbm4b:s3+s11], $0x1, s24, s11, $0xb8;
	[tilespmem:$0x1F50] =	vst v63  }
0x5b: {  	_ = 	snop  }
0x5c: {  	[tilespmem:s28], [sflag:$0x2] =	stream.indirect.gather [hbm4b:s4+s11], $0x1, s26, s11, $0xb8;
	[tilespmem:$0x1F50] =	vst v63  }
0x5d: {  	_ = 	snop  }
0x5e: {  	[tilespmem:s30], [sflag:$0x1] =	stream.indirect.gather [hbm4b:s3+s11], $0x1, s29, s11, $0xb8;
	[tilespmem:$0x1F50] =	vst v63  }
0x5f: {  	_ = 	snop  }
0x60: {  	[tilespmem:s0], [sflag:$0x2] =	stream.indirect.gather [hbm4b:s4+s11], $0x1, s31, s11, $0xb8;
	[tilespmem:$0x1F50] =	vst v63  }
0x61: {  	_ = 	snop  }
0x62: {  	[tilespmem:s10], [sflag:$0x1] =	stream.indirect.gather [hbm4b:s3+s11], $0x1, s1, s11, $0xb8;
	[tilespmem:$0x1F50] =	vst v63  }
0x63: {  	_ = 	snop  }
0x64: {  	[tilespmem:s13], [sflag:$0x2] =	stream.indirect.gather [hbm4b:s4+s11], $0x1, s12, s11, $0xb8;
	[tilespmem:$0x1F50] =	vst v63  }
0x65: {  	_ = 	snop  }
0x66: {  	[tilespmem:s16], [sflag:$0x1] =	stream.indirect.gather [hbm4b:s3+s14], $0x1, s15, s14, $0xb8;
	[tilespmem:$0x1F50] =	vst v63  }
0x67: {  	_ = 	snop  }
0x68: {  	[tilespmem:s18], [sflag:$0x2] =	stream.indirect.gather [hbm4b:s4+s14], $0x1, s17, s14, $0xb8;
	[tilespmem:$0x1F50] =	vst v63  }
0x69: {  	_ =	swait.ge [sflag:s19], $0x80  }
0x6a: {  	[sflag:s19] =	ssyncset.done $0x0  }
0x6b: {  	[sflag:s19] =	ssyncadd.s32 $0xFFFFFF80  }
0x6c: {  	_ =	swait.ge [sflag:s20], $0x80  }
0x6d: {  	[sflag:s20] =	ssyncset.done $0x0  }
0x6e: {  	[sflag:s20] =	ssyncadd.s32 $0xFFFFFF80  }
0x6f: {  	_ =	swait.ge [sflag:s19], $0x80  }
0x70: {  	[sflag:s19] =	ssyncset.done $0x0  }
0x71: {  	[sflag:s19] =	ssyncadd.s32 $0xFFFFFF80  }
0x72: {  	_ =	swait.ge [sflag:s20], $0x80  }
0x73: {  	[sflag:s20] =	ssyncset.done $0x0  }
0x74: {  	[sflag:s20] =	ssyncadd.s32 $0xFFFFFF80  }
0x75: {  	_ =	swait.ge [sflag:s19], $0x80  }
0x76: {  	[sflag:s19] =	ssyncset.done $0x0  }
0x77: {  	[sflag:s19] =	ssyncadd.s32 $0xFFFFFF80  }
0x78: {  	_ =	swait.ge [sflag:s20], $0x80  }
0x79: {  	[sflag:s20] =	ssyncset.done $0x0  }
0x7a: {  	[sflag:s20] =	ssyncadd.s32 $0xFFFFFF80  }
0x7b: {  	_ =	swait.ge [sflag:s19], $0x80  }
0x7c: {  	[sflag:s19] =	ssyncset.done $0x0  }
0x7d: {  	[sflag:s19] =	ssyncadd.s32 $0xFFFFFF80  }
0x7e: {  	_ =	swait.ge [sflag:s20], $0x80  }
0x7f: {  	[sflag:s20] =	ssyncset.done $0x0  }
0x80: {  	[sflag:s20] =	ssyncadd.s32 $0xFFFFFF80  }
0x81: {  	_ =	swait.ge [sflag:s19], $0x80  }
0x82: {  	[sflag:s19] =	ssyncset.done $0x0  }
0x83: {  	[sflag:s19] =	ssyncadd.s32 $0xFFFFFF80  }
0x84: {  	_ =	swait.ge [sflag:s20], $0x80  }
0x85: {  	[sflag:s20] =	ssyncset.done $0x0  }
0x86: {  	[sflag:s20] =	ssyncadd.s32 $0xFFFFFF80  }
0x87: {  	_ =	swait.ge [sflag:s19], $0x80  }
0x88: {  	[sflag:s19] =	ssyncset.done $0x0  }
0x89: {  	[sflag:s19] =	ssyncadd.s32 $0xFFFFFF80  }
0x8a: {  	_ =	swait.ge [sflag:s20], $0x80  }
0x8b: {  	[sflag:s20] =	ssyncset.done $0x0  }
0x8c: {  	[sflag:s20] =	ssyncadd.s32 $0xFFFFFF80  }
0x8d: {  	_ =	swait.ge [sflag:s19], $0x80  }
0x8e: {  	[sflag:s19] =	ssyncset.done $0x0  }
0x8f: {  	[sflag:s19] =	ssyncadd.s32 $0xFFFFFF80  }
0x90: {  	_ =	swait.ge [sflag:s20], $0x80  }
0x91: {  	[sflag:s20] =	ssyncset.done $0x0  }
0x92: {  	[sflag:s20] =	ssyncadd.s32 $0xFFFFFF80  }
0x93: {  	_ =	swait.ge [sflag:s19], $0x80  }
0x94: {  	[sflag:s19] =	ssyncset.done $0x0  }
0x95: {  	[sflag:s19] =	ssyncadd.s32 $0xFFFFFF80  }
0x96: {  	_ =	swait.ge [sflag:s20], $0x80  }
0x97: {  	[sflag:s20] =	ssyncset.done $0x0  }
0x98: {  	[sflag:s20] =	ssyncadd.s32 $0xFFFFFF80  }
0x99: {  	_ =	swait.ge [sflag:s19], $0x80  }
0x9a: {  	[sflag:s19] =	ssyncset.done $0x0  }
0x9b: {  	[sflag:s19] =	ssyncadd.s32 $0xFFFFFF80  }
0x9c: {  	_ =	swait.ge [sflag:s20], $0x80  }
0x9d: {  	[sflag:s20] =	ssyncset.done $0x0  }
0x9e: {  	[sflag:s20] =	ssyncadd.s32 $0xFFFFFF80  }
0x9f: {  	_ =	swait.ge [sflag:s19], $0x80  }
0xa0: {  	[sflag:s19] =	ssyncset.done $0x0  }
0xa1: {  	[sflag:s19] =	ssyncadd.s32 $0xFFFFFF80  }
0xa2: {  	_ =	swait.ge [sflag:s20], $0x80  }
0xa3: {  	[sflag:s20] =	ssyncset.done $0x0  }
0xa4: {  	[sflag:s20] =	ssyncadd.s32 $0xFFFFFF80  }
0xa5: {  	_ =	swait.ge [sflag:s19], $0x80  }
0xa6: {  	[sflag:s19] =	ssyncset.done $0x0  }
0xa7: {  	[sflag:s19] =	ssyncadd.s32 $0xFFFFFF80  }
0xa8: {  	_ =	swait.ge [sflag:s20], $0x80  }
0xa9: {  	[sflag:s20] =	ssyncset.done $0x0  }
0xaa: {  	[sflag:s20] =	ssyncadd.s32 $0xFFFFFF80  }
0xab: {  	_ =	swait.ge [sflag:s19], $0x80  }
0xac: {  	[sflag:s19] =	ssyncset.done $0x0  }
0xad: {  	[sflag:s19] =	ssyncadd.s32 $0xFFFFFF80  }
0xae: {  	_ =	swait.ge [sflag:s20], $0x80  }
0xaf: {  	[sflag:s20] =	ssyncset.done $0x0  }
0xb0: {  	[sflag:s20] =	ssyncadd.s32 $0xFFFFFF80  }
0xb1: {  	_ =	swait.ge [sflag:s19], $0x40  }
0xb2: {  	[sflag:s19] =	ssyncset.done $0x0  }
0xb3: {  	[sflag:s19] =	ssyncadd.s32 $0xFFFFFFC0  }
0xb4: {  	_ =	swait.ge [sflag:s20], $0x40  }
0xb5: {  	[sflag:s20] =	ssyncset.done $0x0  }
0xb6: {  	v0 =	vimm.f32 $0.0e+00;
	[sflag:s20] =	ssyncadd.s32 $0xFFFFFFC0  }
0xb7: {  	s25 =	simm.s32 $0x0;
	[tilespmem:$0x1F40] =	vst v0  }
0xb8: {  	v1 =	vld [tilespmem:s25+$0x1900]  }
0xb9: {  	v2 =	vld [tilespmem:s25+$0x12C0];
	_ =	sdelay $0x4  }
0xba: {  	v1 =	vsub.f32 v1, v2;
	_ =	sdelay $0x1  }
0xbb: {  	v0 =	vadd.f32 v1, v0;
	_ =	sdelay $0x1  }
0xbc: {  	[tilespmem:$0x1F40] =	vst v0  }
0xbd: {  	v1 =	vld [tilespmem:s25+$0x1910]  }
0xbe: {  	v2 =	vld [tilespmem:s25+$0x12D0];
	_ =	sdelay $0x4  }
0xbf: {  	v1 =	vsub.f32 v1, v2;
	_ =	sdelay $0x1  }
0xc0: {  	v0 =	vadd.f32 v1, v0;
	_ =	sdelay $0x1  }
0xc1: {  	[tilespmem:$0x1F40] =	vst v0  }
0xc2: {  	v1 =	vld [tilespmem:s25+$0x1920]  }
0xc3: {  	v2 =	vld [tilespmem:s25+$0x12E0];
	_ =	sdelay $0x4  }
0xc4: {  	v1 =	vsub.f32 v1, v2;
	_ =	sdelay $0x1  }
0xc5: {  	v0 =	vadd.f32 v1, v0;
	_ =	sdelay $0x1  }
0xc6: {  	[tilespmem:$0x1F40] =	vst v0  }
0xc7: {  	v1 =	vld [tilespmem:s25+$0x1930]  }
0xc8: {  	s23 =	simm.s32 $0x100;
	v2 =	vld [tilespmem:s25+$0x12F0]  }
.LBB2_4:
0xc9: {  	_ =	sdelay $0x3  }
0xca: {  	p0 =	sne.s32 s23, $0x1800;
	s24 =	smov.u32 s23;
	s23 =	sadd.s32 $0x100, s23;
	v1 =	vsub.f32 v1, v2  }
0xcb: {  	_ = 	snop  }
0xcc: {  	v0 =	vadd.f32 v1, v0;
	_ =	sdelay $0x1  }
0xcd: {  	s24 =	sshra.s32 s24, $0x2;
	[tilespmem:$0x1F40] =	vst v0  }
0xce: {  	v1 =	vld [tilespmem:s24+$0x1900]  }
0xcf: {  	v2 =	vld [tilespmem:s24+$0x12C0];
	_ =	sdelay $0x4  }
0xd0: {  	v1 =	vsub.f32 v1, v2;
	_ =	sdelay $0x1  }
0xd1: {  	v0 =	vadd.f32 v1, v0;
	_ =	sdelay $0x1  }
0xd2: {  	[tilespmem:$0x1F40] =	vst v0  }
0xd3: {  	v1 =	vld [tilespmem:s24+$0x1910]  }
0xd4: {  	v2 =	vld [tilespmem:s24+$0x12D0];
	_ =	sdelay $0x4  }
0xd5: {  	v1 =	vsub.f32 v1, v2;
	_ =	sdelay $0x1  }
0xd6: {  	v0 =	vadd.f32 v1, v0;
	_ =	sdelay $0x1  }
0xd7: {  	[tilespmem:$0x1F40] =	vst v0  }
0xd8: {  	v1 =	vld [tilespmem:s24+$0x1920]  }
0xd9: {  	v2 =	vld [tilespmem:s24+$0x12E0];
	_ =	sdelay $0x4  }
0xda: {  	v1 =	vsub.f32 v1, v2;
	_ =	sdelay $0x1  }
.Ltmp1:
0xdb: {  	v0 =	vadd.f32 v1, v0;
	(pc) =	sbr.rel @p0 .LBB2_4-.Ltmp1, $4  }
0xdc: {  	_ = 	snop  }
0xdd: {  	[tilespmem:$0x1F40] =	vst v0  }
0xde: {  	v1 =	vld [tilespmem:s24+$0x1930]  }
0xdf: {  	v2 =	vld [tilespmem:s24+$0x12F0]  }
0xe0: {  	_ =	sdelay $0x3  }
0xe1: {  	v1 =	vsub.f32 v1, v2;
	_ =	sdelay $0x1  }
0xe2: {  	s22 =	sadd.s32 $0x1, s22;
	v0 =	vadd.f32 v1, v0  }
0xe3: {  	p0 =	sne.s32 s22, s8  }
.Ltmp2:
0xe4: {  	[tilespmem:$0x1F40] =	vst v0;
	(pc) =	sbr.rel @p0 .LBB2_1-.Ltmp2, $4  }
0xe5: {  	[hbm4b:s7+s2] =	stream.linear.scatter [tilespmem:s21], [sflag:$0x3], $0x10, $0x38;
	[tilespmem:$0x1F50] =	vst v63  }
0xe6: {  	_ =	swait.ge [sflag:s9], $0x10  }
0xe7: {  	[sflag:s9] =	ssyncset.done $0x0  }
0xe8: {  	[sflag:s9] =	ssyncadd.s32 $0xFFFFFFF0  }
0xe9: {  	_ =	sfence.sel $0x180000  }
0xea: {  	[bflag:$0x0] =	sbarrier.arrive $0xFFFF  }
0xeb: {  	_ =	strace $0x9000004A  }
0xec: {  	s0 =	stileid.u32;
	[bflag:$0x2] =	sbarrier.arrive $0xFFFF  }
0xed: {  	p0 =	sne.s32 s0, $0x0;
	s0 =	rddreg [dreg:$0x1]  }
0xee: {  	s0 =	sadd.s32 @!p0 $0x100000, s0  }
0xef: {  	[sflag:s0] =	ssyncadd.tile.s32 @!p0 $0x1;
	_ =	shalt  }
.Lfunc_end2:
_tile_overlayer_lowered:
.L_overlay_start_2:
0xf0: {  	(tag) =	ssettag $0x2  }
0xf1: {  	s0 =	rddreg [dreg:$0x0];
	s2 =	stileid.u32  }
0xf2: {  	s1 =	rddreg [dreg:$0x1];
	p0 =	sne.s32 s2, $0x0  }
0xf3: {  	s3 =	rddreg [dreg:$0x2];
	[bflag:$0x3] =	sbarrier.arrive $0xFFFF;
	s2 =	simm.s32 @!p0 $0x1C03  }
0xf4: {  	[timem:s3], [sflag:s2] =	dma.local @!p0 [hbm:s0], s1  }
0xf5: {  	s0 =	simm.s32 @!p0 $0x3  }
0xf6: {  	_ =	swait.ge @!p0 [sflag:s0], s1  }
0xf7: {  	s1 =	ssub.s32 @!p0 $0x0, s1;
	[sflag:s0] =	ssyncset.done @!p0 $0x0  }
0xf8: {  	[sflag:s0] =	ssyncadd.s32 @!p0 s1  }
0xf9: {  	[bflag:$0x3] =	sbarrier.arrive $0xFFFF  }
0xfa: {  	_ =	shalt  }

// kernel: kernel.8.cloned.1.call-start
scs
__scs_entry_jumppad:
0x0: {  	(pc) =	sbr.rel $0x88, $3  }
0x1: {  	(tag) =	ssettag $0x0;
	lr =	simm.s32 $0x1  }
0x2: {  	[smem:$0x3F9E] =	sst lr;
	_ =	strace $0xD0000000  }
0x3: {  	_ = 	snop  }
0x4: {  	_ = 	snop  }
0x5: {  	_ = 	snop  }
0x6: {  	_ = 	snop  }
0x7: {  	_ = 	snop  }
__scs_overlays_trampoline_lowered:
0x8: {  	[smem:$0x3FAD] =	sst s0  }
0x9: {  	[smem:$0x3FAE] =	sst s1  }
0xa: {  	[smem:$0x3FAF] =	sst s2  }
0xb: {  	[smem:$0x3FB0] =	sst s3  }
0xc: {  	[smem:$0x3FB1] =	sst s4  }
0xd: {  	[smem:$0x3FB2] =	sst s5  }
0xe: {  	[smem:$0x3FB3] =	sst s6  }
0xf: {  	[smem:$0x3FB4] =	sst s7  }
0x10: {  	[smem:$0x3FB5] =	sst s8  }
0x11: {  	[smem:$0x3FB6] =	sst s9;
	s0 =	simm.s32 @!p0 $0x0  }
0x12: {  	s1 =	sld [smem:$0x3F9C];
	s0 =	simm.s32 @p0 $0x1  }
0x13: {  	[smem:$0x3FB7] =	sst s0;
	s0 =	simm.s32 @!p1 $0x0  }
0x14: {  	s2 =	sld [smem:$0x3F9B];
	s0 =	simm.s32 @p1 $0x1  }
0x15: {  	[smem:$0x3FB8] =	sst s0;
	s0 =	simm.s32 @!p2 $0x0  }
0x16: {  	s3 =	sld [smem:$0x3FDB];
	s0 =	simm.s32 @p2 $0x1  }
0x17: {  	s4 =	simm.s32 $0x1BF5;
	[smem:$0x3FBA] =	sst s0  }
0x18: {  	s0 =	sld [smem:$0x3F9D];
	_ =	swait.ge [sflag:s4], $0x0  }
0x19: {  	s7 =	sld [smem:$0x3F9E]  }
0x1a: {  	s8 =	sadd.s32 $0xFFFFE003, lr  }
0x1b: {  	s9 =	sadd.s32 $0xFFFFFEF7, lr;
	s5 =	simm.s32 $0xFFFFFFFF;
	p2 =	slt.u32 s8, $0xFFFFF086  }
0x1c: {  	p1 =	slt.u32 s9, $0xF7A;
	s5 =	simm.s32 @!p2 $0x0  }
0x1d: {  	s5 =	simm.s32 @p1 $0x1;
	p0 =	seq.s32 s7, s2  }
0x1e: {  	s7 =	smul.u32 @!p0 $0xF7A, s2;
	p2 =	seq.s32 @!p0 s5, $0x0  }
0x1f: {  	s9 =	smul.u32 $0xF7A, s1;
	s8 =	simm.s32 @!p0 $0x1BF5;
	p2 =	por !p2, p0  }
0x20: {  	[sflag:s8] =	ssyncset.s32 @!p0 $0xFFFFF086;
	s6 =	sadd.s32 @!p0 s3, s7;
	s7 =	simm.s32 @!p0 $0x108  }
0x21: {  	s3 =	sadd.s32 s3, s9;
	s6 =	sadd.s32 @!p0 $0x88, s6;
	s7 =	simm.s32 @p2 $0x1082  }
0x22: {  	[simem:s7], [sflag:s8] =	dma.local @!p0 [hbm:s6], $0xF7A  }
0x23: {  	s9 =	sor.u32 $0xD0000000, s2;
	s6 =	simm.s32 $0x108;
	_ =	swait.ge @!p0 [sflag:s8], $0x0  }
0x24: {  	s3 =	sadd.s32 $0x88, s3;
	s6 =	simm.s32 @!p1 $0x1082;
	[sflag:s4] =	ssyncset.s32 $0xFFFFF086  }
0x25: {  	[simem:s6], [sflag:s4] =	dma.local [hbm:s3], $0xF7A  }
0x26: {  	[smem:$0x3F9E] =	sst s1;
	(tag) =	ssettag s2;
	_ =	strace s9  }
0x27: {  	s1 =	sld [smem:$0x3FAE]  }
0x28: {  	s2 =	sld [smem:$0x3FAF]  }
0x29: {  	s4 =	sld [smem:$0x3FB1]  }
0x2a: {  	p0 =	seq.s32 s5, $0x0;
	s5 =	sld [smem:$0x3FB2]  }
0x2b: {  	s6 =	sld [smem:$0x3FB3]  }
0x2c: {  	s7 =	sld [smem:$0x3FB4]  }
0x2d: {  	s3 =	simm.s32 $0x108;
	s8 =	sld [smem:$0x3FB5]  }
0x2e: {  	s3 =	simm.s32 @!p0 $0x1082;
	s9 =	sld [smem:$0x3FB6]  }
0x2f: {  	lr =	sadd.s32 s0, s3;
	s0 =	sld [smem:$0x3FAD]  }
0x30: {  	s3 =	sld [smem:$0x3FB0]  }
0x31: {  	[smem:$0x3FB9] =	sst s10  }
0x32: {  	s10 =	sld [smem:$0x3FB7];
	_ =	sdelay $0x3  }
0x33: {  	p0 =	seq.s32 s10, $0x1;
	s10 =	sld [smem:$0x3FB9];
	_ =	sdelay $0x3  }
0x34: {  	[smem:$0x3FB9] =	sst s10  }
0x35: {  	s10 =	sld [smem:$0x3FB8];
	_ =	sdelay $0x3  }
0x36: {  	p1 =	seq.s32 s10, $0x1;
	s10 =	sld [smem:$0x3FB9];
	_ =	sdelay $0x3  }
0x37: {  	[smem:$0x3FB9] =	sst s10  }
0x38: {  	s10 =	sld [smem:$0x3FBA]  }
0x39: {  	_ = 	snop;
	(pc) =	sbr.ind lr, $3  }
0x3a: {  	_ = 	snop  }
0x3b: {  	_ = 	snop  }
0x3c: {  	p2 =	seq.s32 s10, $0x1;
	s10 =	sld [smem:$0x3FB9]  }
0x3d: {  	_ =	shalt  }
0x3e: {  	_ =	shalt  }
0x3f: {  	_ =	shalt  }
0x40: {  	_ =	shalt  }
0x41: {  	_ =	shalt  }
0x42: {  	_ =	shalt  }
0x43: {  	_ =	shalt  }
0x44: {  	_ =	shalt  }
0x45: {  	_ =	shalt  }
0x46: {  	_ =	shalt  }
0x47: {  	_ =	shalt  }
0x48: {  	_ =	shalt  }
0x49: {  	_ =	shalt  }
0x4a: {  	_ =	shalt  }
0x4b: {  	_ =	shalt  }
0x4c: {  	_ =	shalt  }
0x4d: {  	_ =	shalt  }
0x4e: {  	_ =	shalt  }
0x4f: {  	_ =	shalt  }
0x50: {  	_ =	shalt  }
0x51: {  	_ =	shalt  }
0x52: {  	_ =	shalt  }
0x53: {  	_ =	shalt  }
0x54: {  	_ =	shalt  }
0x55: {  	_ =	shalt  }
0x56: {  	_ =	shalt  }
0x57: {  	_ =	shalt  }
0x58: {  	_ =	shalt  }
0x59: {  	_ =	shalt  }
0x5a: {  	_ =	shalt  }
0x5b: {  	_ =	shalt  }
0x5c: {  	_ =	shalt  }
0x5d: {  	_ =	shalt  }
0x5e: {  	_ =	shalt  }
0x5f: {  	_ =	shalt  }
0x60: {  	_ =	shalt  }
0x61: {  	_ =	shalt  }
0x62: {  	_ =	shalt  }
0x63: {  	_ =	shalt  }
0x64: {  	_ =	shalt  }
0x65: {  	_ =	shalt  }
0x66: {  	_ =	shalt  }
0x67: {  	_ =	shalt  }
0x68: {  	_ =	shalt  }
0x69: {  	_ =	shalt  }
0x6a: {  	_ =	shalt  }
0x6b: {  	_ =	shalt  }
0x6c: {  	_ =	shalt  }
0x6d: {  	_ =	shalt  }
0x6e: {  	_ =	shalt  }
0x6f: {  	_ =	shalt  }
0x70: {  	_ =	shalt  }
0x71: {  	_ =	shalt  }
0x72: {  	_ =	shalt  }
0x73: {  	_ =	shalt  }
0x74: {  	_ =	shalt  }
0x75: {  	_ =	shalt  }
0x76: {  	_ =	shalt  }
0x77: {  	_ =	shalt  }
0x78: {  	_ =	shalt  }
0x79: {  	_ =	shalt  }
0x7a: {  	_ =	shalt  }
0x7b: {  	_ =	shalt  }
0x7c: {  	_ =	shalt  }
0x7d: {  	_ =	shalt  }
0x7e: {  	_ =	shalt  }
0x7f: {  	_ =	shalt  }
0x80: {  	_ =	shalt  }
0x81: {  	_ =	shalt  }
0x82: {  	_ =	shalt  }
0x83: {  	_ =	shalt  }
0x84: {  	_ =	shalt  }
0x85: {  	_ =	shalt  }
0x86: {  	_ =	shalt  }
0x87: {  	_ =	shalt  }
.Lfunc_end0:
.L_simem_size_0:
called_computation.2_lowered:
.L_overlay_start_0:
0x88: {  	s2 =	sld [smem:$0x3FD9]  }
0x89: {  	s3 =	sld [smem:$0x3FFE];
	_ =	sdelay $0x1  }
0x8a: {  	s1 =	srdreg.scid  }
0x8b: {  	s0 =	sand.u32 $0x1, s1  }
0x8c: {  	s14 =	sshll.u32 s0, $0xA;
	s2 =	sadd.s32 s3, s2  }
0x8d: {  	s2 =	sadd.s32 s2, s14  }
0x8e: {  	[smem:$0x3FC5] =	sst s2  }
0x8f: {  	_ = 	snop  }
0x90: {  	s2 =	sld [smem:$0x3FD0];
	_ =	sdelay $0x2  }
0x91: {  	s15 =	simm.s32 $0xB;
	s4 =	simm.s32 $0x10  }
0x92: {  	[smem:s4], [sflag:s15] =	dma.local [hbm:s2], $0x1  }
0x93: {  	_ =	swait.eq [sflag:s15], $0x1  }
0x94: {  	[sflag:s15] =	ssyncset.done $0x0  }
0x95: {  	[sflag:s15] =	ssyncadd.s32 $0xFFFFFFFF  }
0x96: {  	s16 =	sld [smem:$0x10];
	(tm) =	ssettm $0x1  }
0x97: {  	s17 =	sld [smem:$0x3FFB];
	_ =	sdelay $0x3  }
0x98: {  	_ =	strace s17  }
0x99: {  	s3 =	sld [smem:$0x3FFC];
	_ =	sdelay $0x3  }
0x9a: {  	_ =	strace s3  }
0x9b: {  	s3 =	sld [smem:$0x3FFD];
	_ =	sdelay $0x3  }
0x9c: {  	_ =	strace s3  }
0x9d: {  	_ =	strace $0x8FFFFFFF  }
0x9e: {  	s18 =	sld [smem:$0x3FDB];
	_ =	sdelay $0x1  }
0x9f: {  	s19 =	simm.s32 $_scs_section_size  }
0xa0: {  	s5 =	simm.s32 $_size__tile_overlayer_lowered;
	s6 =	simm.s32 $_tile_overlayer_lowered  }
0xa1: {  	s22 =	simm.s32 $0x1BFF;
	s21 =	sshll.u32 s6, $0x1;
	s3 =	sadd.s32 s19, s18  }
0xa2: {  	s7 =	simm.s32 $0x0;
	s20 =	sshll.u32 s5, $0x1;
	s5 =	sadd.s32 s21, s3  }
0xa3: {  	[timem:s7], [sflag:s22] =	dma.local [hbm:s5], s20  }
0xa4: {  	_ =	swait.ge [sflag:s22], s20  }
0xa5: {  	s4 =	ssub.s32 $0x0, s20;
	[sflag:s22] =	ssyncset.done $0x0  }
0xa6: {  	[sflag:s22] =	ssyncadd.s32 s4;
	_ =	sdelay $0x1  }
0xa7: {  	s23 =	simm.s32 $0x1B8B  }
0xa8: {  	_ =	swait.ge [sflag:s23], $0x1  }
0xa9: {  	[sflag:s23] =	ssyncset.done $0x0  }
0xaa: {  	s25 =	simm.s32 $0x1B8E;
	s24 =	sld [smem:$0x3FFE];
	[sflag:s23] =	ssyncadd.s32 $0xFFFFFFFF  }
0xab: {  	s26 =	simm.s32 $execute0_lowered;
	[smem:$0x3FD2] =	sst s25  }
0xac: {  	s5 =	sshll.u32 s26, $0x1;
	_ =	strace $0x80000046;
	[dreg:$0x1] =	wrdreg $0xFFFFFFFF  }
0xad: {  	s28 =	simm.s32 $_size_execute0_lowered;
	s3 =	sadd.s32 s3, s5;
	[dreg:$0x0] =	wrdreg $0x0  }
0xae: {  	s5 =	sshll.u32 s28, $0x1;
	[dreg:$0x2] =	wrdreg s3  }
0xaf: {  	[dreg:$0x3] =	wrdreg s5  }
0xb0: {  	[dreg:$0x4] =	wrdreg $0xC0  }
0xb1: {  	_ =	task [dreg:s7], $0x5FFFF  }
0xb2: {  	[dreg:$0x1] =	wrdreg $0xFFFFFFFF  }
0xb3: {  	[dreg:$0x0] =	wrdreg $0x60  }
0xb4: {  	[dreg:$0x2] =	wrdreg s24  }
0xb5: {  	[dreg:$0x3] =	wrdreg s16  }
0xb6: {  	[dreg:$0x4] =	wrdreg $0xA  }
0xb7: {  	_ =	task.clear_ibuf [dreg:s7], $0x5FFFF;
	_ =	strace $0x90000046  }
0xb8: {  	s29 =	simm.s32 $0xA;
	_ =	strace $0x80000048  }
0xb9: {  	_ =	swait.ge [sflag:s29], $0x1  }
0xba: {  	[sflag:s29] =	ssyncadd.s32 $0xFFFFFFFF  }
0xbb: {  	_ =	strace $0x90000048  }
0xbc: {  	_ =	sfence  }
0xbd: {  	s30 =	sld [smem:$0x0];
	_ =	sdelay $0x2  }
0xbe: {  	s31 =	sshll.u32 s1, $0xD;
	s1 =	sshrl.u32 s1, $0x2  }
0xbf: {  	s3 =	sand.u32 $0x4000, s31;
	s1 =	sadd.s32 s1, s30  }
0xc0: {  	s0 =	sor.u32 s3, s0;
	s1 =	sshll.u32 s1, $0x11  }
0xc1: {  	s0 =	sor.u32 s1, s0  }
0xc2: {  	s0 =	sadd.s32 $0x8F2B, s0  }
0xc3: {  	[sflag:s0] =	ssyncadd.remote.s32 $0x1  }
0xc4: {  	_ =	sfence.sel $0xFFFF  }
0xc5: {  	[dreg:$0x0] =	wrdreg $0xFFFFFFFF;
	(pc) =	sbr.abs _section_cstart, $3  }
0xc6: {  	[dreg:$0x1] =	wrdreg $0xFFFFFFFF  }
0xc7: {  	_ =	task.clear_ibuf [dreg:s7], $0x2FFFF;
	_ =	strace $0x9FFFFFFF  }
0xc8: {  	(tm) =	ssettm $0x7FFFFFFF  }
0xc9: {  	_ =	shalt  }
tec
execute0_lowered:
.L_overlay_start_1:
0x0: {  	(tag) =	ssettag $0x1  }
0x1: {  	s0 =	rddreg [dreg:$0x0];
	s1 =	srdreg.scid  }
0x2: {  	s10 =	stileid.u32;
	s5 =	rddreg [dreg:$0x1];
	s2 =	simm.s32 $0x0  }
0x3: {  	s21 =	simm.s32 $0x10;
	s14 =	simm.s32 $0x1C00;
	s15 =	simm.s32 $0x2000  }
0x4: {  	s16 =	simm.s32 $0x7680;
	s17 =	simm.s32 $0x3;
	s18 =	simm.s32 $0xE680  }
0x5: {  	s28 =	simm.s32 $0x4;
	s29 =	simm.s32 $0x6;
	s7 =	smul.u32 $0x64000, s10  }
0x6: {  	s1 =	sand.u32 $0x1, s1;
	s3 =	sshll.u32 s10, $0x1;
	s10 =	smul.u32 $0xC800, s10  }
0x7: {  	s30 =	simm.s32 $0x5;
	[smem:$0x7FF] =	sst s2;
	s12 =	smul.u32 $0x32000, s1  }
0x8: {  	s3 =	sor.u32 s1, s3;
	s8 =	ssub.s32 $0x2, s1;
	s1 =	smul.u32 $0x6400, s1  }
0x9: {  	s31 =	simm.s32 $0x7;
	_ =	strace $0x80000047;
	s4 =	smul.u32 $0x640, s3  }
0xa: {  	s3 =	sadd.s32 $0x1200, s0;
	s9 =	sadd.s32 s7, s0;
	s22 =	sshrl.u32 s8, $0x1  }
0xb: {  	s7 =	sadd.s32 $0x1400, s0;
	s23 =	sadd.s32 s10, s5;
	s10 =	simm.s32 $0x0  }
0xc: {  	s11 =	ssub.s32 s8, s22;
	s8 =	sadd.s32 $0x1500, s0;
	s24 =	sadd.s32 s12, s9  }
0xd: {  	s12 =	simm.s32 $0x2;
	s22 =	simm.s32 $0x13680;
	s6 =	sshrl.u32 s4, $0x3  }
0xe: {  	s4 =	sadd.s32 $0x1E200, s0;
	s25 =	smax.u32 s11, $0x1;
	s26 =	sadd.s32 $0x22200, s24  }
.Ltmp0:
0xf: {  	s6 =	sadd.s32 s6, s0;
	[dreg:$0x4] =	wrdreg s25;
	(pc) =	sbr.rel .LBB2_1-.Ltmp0, $4  }
0x10: {  	s11 =	simm.s32 $0x12E80;
	[dreg:$0x6] =	wrdreg s26;
	s6 =	sadd.s32 $0x1C800, s6  }
0x11: {  	v2 =	vlaneseq.u32;
	s24 =	simm.s32 $0xAE80;
	s26 =	simm.s32 $0x13E80;
	[dreg:$0x3] =	wrdreg s6  }
0x12: {  	vm0 =	vmmov $0xffff;
	vm1 =	vmmov $0xff;
	v1 =	vshrl.u32 v2, $0x3;
	s6 =	sadd.s32 $0x1300, s0;
	s0 =	sadd.s32 s1, s23;
	s23 =	simm.s32 $0x3E80  }
0x13: {  	v0 =	vand.u32 $0x7, v2;
	v2 =	vor.u32 $0x8, v2;
	v1 =	vmul.u32 $0x8, v1;
	s1 =	simm.s32 $0x12680;
	[dreg:$0x5] =	wrdreg s0;
	s0 =	simm.s32 $0x1  }
.LBB2_4:
0x14: {  	s5 =	simm.s32 $0x8  }
0x15: {  	_ =	swait.ge [sflag:s5], $0x3800  }
0x16: {  	[sflag:s5] =	ssyncset.done $0x0  }
0x17: {  	[sflag:s5] =	ssyncadd.s32 $0xFFFFC800  }
0x18: {  	_ =	swait.ge [sflag:s5], $0x800  }
0x19: {  	[sflag:s5] =	ssyncset.done $0x0  }
0x1a: {  	s20 =	simm.s32 $0x9;
	[sflag:s5] =	ssyncadd.s32 $0xFFFFF800  }
0x1b: {  	_ =	swait.ge [sflag:s20], $0x3800  }
0x1c: {  	[sflag:s20] =	ssyncset.done $0x0  }
0x1d: {  	[sflag:s20] =	ssyncadd.s32 $0xFFFFC800  }
0x1e: {  	_ =	swait.ge [sflag:s20], $0x800  }
0x1f: {  	[sflag:s20] =	ssyncset.done $0x0  }
0x20: {  	s9 =	simm.s32 $0xA;
	[sflag:s20] =	ssyncadd.s32 $0xFFFFF800  }
0x21: {  	_ =	swait.ge [sflag:s9], $0x3800  }
0x22: {  	[sflag:s9] =	ssyncset.done $0x0  }
0x23: {  	[sflag:s9] =	ssyncadd.s32 $0xFFFFC800  }
0x24: {  	_ =	swait.ge [sflag:s9], $0x800  }
0x25: {  	s10 =	rddreg [dreg:$0x7]  }
0x26: {  	s25 =	rddreg [dreg:$0x4];
	s10 =	sadd.s32 $0x1, s10  }
0x27: {  	p0 =	sne.s32 s10, s25  }
.Ltmp1:
0x28: {  	_ = 	snop;
	(pc) =	sbr.rel @!p0 .LBB2_5-.Ltmp1, $3  }
0x29: {  	_ =	sdelay $0x1  }
0x2a: {  	[sflag:s9] =	ssyncset.done $0x0  }
0x2b: {  	[sflag:s9] =	ssyncadd.s32 $0xFFFFF800  }
.LBB2_1:
0x2c: {  	[dreg:$0x7] =	wrdreg s10  }
0x2d: {  	s5 =	rddreg [dreg:$0x3];
	s10 =	simm.s32 $0xB  }
0x2e: {  	[tilespmem:s2], [sflag:$0xB] =	stream.linear.gather [hbm4b:s5+s2], $0x640, $0x38;
	[tilespmem:$0x14680] =	vst v63  }
0x2f: {  	_ =	swait.ge [sflag:s10], $0x640  }
0x30: {  	[sflag:s10] =	ssyncset.done $0x0  }
0x31: {  	[sflag:s10] =	ssyncadd.s32 $0xFFFFF9C0  }
0x32: {  	v3 =	vld [tilespmem:$0x0];
	_ =	sdelay $0x4  }
0x33: {  	v4 =	vshrl.u32 v3, $0x3  }
0x34: {  	v4 =	vmul.u32 $0x38, v4  }
0x35: {  	v3 =	vand.u32 $0x7, v3  }
0x36: {  	v3 =	vor.u32 v3, v4  }
0x37: {  	v4 =	vperm.xlane v3, v0;
	_ =	sdelay $0x1  }
0x38: {  	v4 =	vadd.s32 v1, v4;
	_ =	sdelay $0x3  }
0x39: {  	s13 =	simm.s32 $0x680  }
0x3a: {  	[tilespmem:s13], [sflag:$0x1] =	stream.indirect_vreg.gather [hbm4b:s3+s2], $0x80, v4, vm0, $0xb8;
	[tilespmem:$0x14680] =	vst v63  }
0x3b: {  	s19 =	simm.s32 $0xE80;
	v3 =	vperm.xlane v3, v2  }
0x3c: {  	[tilespmem:s19], [sflag:$0x1] =	stream.indirect_vreg.gather [hbm4b:s6+s2], $0x80, v4, vm0, $0xb8;
	[tilespmem:$0x14680] =	vst v63  }
0x3d: {  	s20 =	simm.s32 $0x1680;
	v3 =	vadd.s32 v1, v3  }
0x3e: {  	[tilespmem:s20], [sflag:$0x1] =	stream.indirect_vreg.gather [hbm4b:s7+s2], $0x80, v4, vm0, $0xb8;
	[tilespmem:$0x14680] =	vst v63  }
0x3f: {  	s25 =	simm.s32 $0x1E80  }
0x40: {  	[tilespmem:s25], [sflag:$0x1] =	stream.indirect_vreg.gather [hbm4b:s8+s2], $0x80, v4, vm1, $0xb8;
	[tilespmem:$0x14680] =	vst v63  }
0x41: {  	s9 =	simm.s32 $0x2280  }
0x42: {  	[tilespmem:s9], [sflag:$0x1] =	stream.indirect_vreg.gather [hbm4b:s3+s2], $0x80, v3, vm0, $0xb8;
	[tilespmem:$0x14680] =	vst v63  }
0x43: {  	s10 =	simm.s32 $0x2A80  }
0x44: {  	[tilespmem:s10], [sflag:$0x1] =	stream.indirect_vreg.gather [hbm4b:s6+s2], $0x80, v3, vm0, $0xb8;
	[tilespmem:$0x14680] =	vst v63  }
0x45: {  	s13 =	simm.s32 $0x3280  }
0x46: {  	[tilespmem:s13], [sflag:$0x1] =	stream.indirect_vreg.gather [hbm4b:s7+s2], $0x80, v3, vm0, $0xb8;
	[tilespmem:$0x14680] =	vst v63  }
0x47: {  	s19 =	simm.s32 $0x3A80  }
0x48: {  	[tilespmem:s19], [sflag:$0x1] =	stream.indirect_vreg.gather [hbm4b:s8+s2], $0x80, v3, vm1, $0xb8;
	[tilespmem:$0x14680] =	vst v63  }
0x49: {  	s20 =	simm.s32 $0x11E80  }
0x4a: {  	[tilespmem:s20], [sflag:$0x1] =	stream.indirect.gather [hbm4b:s4+s21], $0x80, s2, s21, $0xb8;
	[tilespmem:$0x14680] =	vst v63  }
0x4b: {  	v3 =	vld [tilespmem:$0x10];
	_ =	sdelay $0x4  }
0x4c: {  	v63 =	vshrl.u32 v3, $0x3  }
0x4d: {  	v4 =	vmul.u32 $0x38, v63  }
0x4e: {  	v3 =	vand.u32 $0x7, v3  }
0x4f: {  	v3 =	vor.u32 v3, v4  }
0x50: {  	v4 =	vperm.xlane v3, v0;
	_ =	sdelay $0x1  }
0x51: {  	v4 =	vadd.s32 v1, v4;
	_ =	sdelay $0x4  }
0x52: {  	[tilespmem:s23], [sflag:$0x2] =	stream.indirect_vreg.gather [hbm4b:s3+s2], $0x80, v4, vm0, $0xb8;
	[tilespmem:$0x14680] =	vst v63  }
0x53: {  	s25 =	simm.s32 $0x4680;
	v3 =	vperm.xlane v3, v2  }
0x54: {  	[tilespmem:s25], [sflag:$0x2] =	stream.indirect_vreg.gather [hbm4b:s6+s2], $0x80, v4, vm0, $0xb8;
	[tilespmem:$0x14680] =	vst v63  }
0x55: {  	s9 =	simm.s32 $0x4E80;
	v3 =	vadd.s32 v1, v3  }
0x56: {  	[tilespmem:s9], [sflag:$0x2] =	stream.indirect_vreg.gather [hbm4b:s7+s2], $0x80, v4, vm0, $0xb8;
	[tilespmem:$0x14680] =	vst v63  }
0x57: {  	s10 =	simm.s32 $0x5680  }
0x58: {  	[tilespmem:s10], [sflag:$0x2] =	stream.indirect_vreg.gather [hbm4b:s8+s2], $0x80, v4, vm1, $0xb8;
	[tilespmem:$0x14680] =	vst v63  }
0x59: {  	s13 =	simm.s32 $0x5A80  }
0x5a: {  	[tilespmem:s13], [sflag:$0x2] =	stream.indirect_vreg.gather [hbm4b:s3+s2], $0x80, v3, vm0, $0xb8;
	[tilespmem:$0x14680] =	vst v63  }
0x5b: {  	s19 =	simm.s32 $0x6280  }
0x5c: {  	[tilespmem:s19], [sflag:$0x2] =	stream.indirect_vreg.gather [hbm4b:s6+s2], $0x80, v3, vm0, $0xb8;
	[tilespmem:$0x14680] =	vst v63  }
0x5d: {  	s20 =	simm.s32 $0x6A80  }
0x5e: {  	[tilespmem:s20], [sflag:$0x2] =	stream.indirect_vreg.gather [hbm4b:s7+s2], $0x80, v3, vm0, $0xb8;
	[tilespmem:$0x14680] =	vst v63  }
0x5f: {  	s25 =	simm.s32 $0x7280;
	s19 =	rddreg [dreg:$0x6]  }
0x60: {  	[tilespmem:s25], [sflag:$0x2] =	stream.indirect_vreg.gather [hbm4b:s8+s2], $0x80, v3, vm1, $0xb8;
	[tilespmem:$0x14680] =	vst v63  }
0x61: {  	s5 =	simm.s32 $0x0;
	s20 =	rddreg [dreg:$0x5]  }
0x62: {  	[tilespmem:s1], [sflag:$0x2] =	stream.indirect.gather [hbm4b:s4+s21], $0x80, s21, s21, $0xb8;
	[tilespmem:$0x14680] =	vst v63  }
.LBB2_2:
0x63: {  	_ =	swait.ge [sflag:s0], $0x3800  }
0x64: {  	[sflag:s0] =	ssyncset.done $0x0  }
0x65: {  	[sflag:s0] =	ssyncadd.s32 $0xFFFFC800  }
0x66: {  	_ =	swait.ge [sflag:s0], $0x800  }
0x67: {  	[sflag:s0] =	ssyncset.done $0x0  }
0x68: {  	s9 =	simm.s32 $0x680;
	p0 =	seq.s32 s5, $0x0;
	[sflag:s0] =	ssyncadd.s32 $0xFFFFF800  }
0x69: {  	[hbm4b:s19+s14] =	stream.strided.scatter [tilespmem:s9], [sflag:$0x6], $0x3800, s15, s14, $0x38;
	[tilespmem:$0x14680] =	vst v63  }
0x6a: {  	s13 =	simm.s32 $0x11E80;
	s9 =	simm.s32 @!p0 $0x8  }
0x6b: {  	[hbm4b:s20+s2] =	stream.linear.scatter [tilespmem:s13], [sflag:$0x6], $0x800, $0x38;
	[tilespmem:$0x14680] =	vst v63  }
0x6c: {  	_ =	swait.ge @!p0 [sflag:s9], $0x3800  }
0x6d: {  	[sflag:s9] =	ssyncset.done @!p0 $0x0  }
0x6e: {  	[sflag:s9] =	ssyncadd.s32 @!p0 $0xFFFFC800  }
0x6f: {  	_ =	swait.ge @!p0 [sflag:s9], $0x800  }
0x70: {  	[sflag:s9] =	ssyncset.done @!p0 $0x0  }
0x71: {  	[sflag:s9] =	ssyncadd.s32 @!p0 $0xFFFFF800;
	s9 =	sshra.s32 s5, $0x2  }
0x72: {  	v3 =	vld [tilespmem:s9+$0x20];
	_ =	sdelay $0x4  }
0x73: {  	v4 =	vshrl.u32 v3, $0x3  }
0x74: {  	v4 =	vmul.u32 $0x38, v4  }
0x75: {  	v3 =	vand.u32 $0x7, v3  }
0x76: {  	v3 =	vor.u32 v3, v4  }
0x77: {  	v4 =	vperm.xlane v3, v0;
	_ =	sdelay $0x1  }
0x78: {  	v4 =	vadd.s32 v1, v4;
	_ =	sdelay $0x4  }
0x79: {  	[tilespmem:s16], [sflag:$0x3] =	stream.indirect_vreg.gather [hbm4b:s3+s2], $0x80, v4, vm0, $0xb8;
	[tilespmem:$0x14680] =	vst v63  }
0x7a: {  	s10 =	simm.s32 $0x7E80;
	v3 =	vperm.xlane v3, v2  }
0x7b: {  	[tilespmem:s10], [sflag:$0x3] =	stream.indirect_vreg.gather [hbm4b:s6+s2], $0x80, v4, vm0, $0xb8;
	[tilespmem:$0x14680] =	vst v63  }
0x7c: {  	s25 =	simm.s32 $0x8680;
	v3 =	vadd.s32 v1, v3  }
0x7d: {  	[tilespmem:s25], [sflag:$0x3] =	stream.indirect_vreg.gather [hbm4b:s7+s2], $0x80, v4, vm0, $0xb8;
	[tilespmem:$0x14680] =	vst v63  }
0x7e: {  	s13 =	simm.s32 $0x8E80  }
0x7f: {  	[tilespmem:s13], [sflag:$0x3] =	stream.indirect_vreg.gather [hbm4b:s8+s2], $0x80, v4, vm1, $0xb8;
	[tilespmem:$0x14680] =	vst v63  }
0x80: {  	s25 =	simm.s32 $0x9280  }
0x81: {  	[tilespmem:s25], [sflag:$0x3] =	stream.indirect_vreg.gather [hbm4b:s3+s2], $0x80, v3, vm0, $0xb8;
	[tilespmem:$0x14680] =	vst v63  }
0x82: {  	s13 =	simm.s32 $0x9A80  }
0x83: {  	[tilespmem:s13], [sflag:$0x3] =	stream.indirect_vreg.gather [hbm4b:s6+s2], $0x80, v3, vm0, $0xb8;
	[tilespmem:$0x14680] =	vst v63  }
0x84: {  	s25 =	simm.s32 $0xA280  }
0x85: {  	[tilespmem:s25], [sflag:$0x3] =	stream.indirect_vreg.gather [hbm4b:s7+s2], $0x80, v3, vm0, $0xb8;
	[tilespmem:$0x14680] =	vst v63  }
0x86: {  	s13 =	simm.s32 $0xAA80  }
0x87: {  	[tilespmem:s13], [sflag:$0x3] =	stream.indirect_vreg.gather [hbm4b:s8+s2], $0x80, v3, vm1, $0xb8;
	[tilespmem:$0x14680] =	vst v63  }
0x88: {  	s25 =	sadd.s32 $0x20, s9  }
0x89: {  	[tilespmem:s11], [sflag:$0x3] =	stream.indirect.gather [hbm4b:s4+s21], $0x80, s25, s21, $0xb8;
	[tilespmem:$0x14680] =	vst v63  }
0x8a: {  	_ =	swait.ge [sflag:s12], $0x3800  }
0x8b: {  	[sflag:s12] =	ssyncset.done $0x0  }
0x8c: {  	[sflag:s12] =	ssyncadd.s32 $0xFFFFC800  }
0x8d: {  	_ =	swait.ge [sflag:s12], $0x800  }
0x8e: {  	[sflag:s12] =	ssyncset.done $0x0  }
0x8f: {  	s13 =	sadd.s32 $0x800, s19;
	[sflag:s12] =	ssyncadd.s32 $0xFFFFF800  }
0x90: {  	[hbm4b:s13+s14] =	stream.strided.scatter [tilespmem:s23], [sflag:$0x7], $0x3800, s15, s14, $0x38;
	[tilespmem:$0x14680] =	vst v63  }
0x91: {  	s10 =	simm.s32 @!p0 $0x9;
	s25 =	sadd.s32 $0x100, s20  }
0x92: {  	[hbm4b:s25+s2] =	stream.linear.scatter [tilespmem:s1], [sflag:$0x7], $0x800, $0x38;
	[tilespmem:$0x14680] =	vst v63  }
0x93: {  	_ =	swait.ge @!p0 [sflag:s10], $0x3800  }
0x94: {  	[sflag:s10] =	ssyncset.done @!p0 $0x0  }
0x95: {  	[sflag:s10] =	ssyncadd.s32 @!p0 $0xFFFFC800  }
0x96: {  	_ =	swait.ge @!p0 [sflag:s10], $0x800  }
0x97: {  	[sflag:s10] =	ssyncset.done @!p0 $0x0  }
0x98: {  	[sflag:s10] =	ssyncadd.s32 @!p0 $0xFFFFF800  }
0x99: {  	v3 =	vld [tilespmem:s9+$0x30];
	_ =	sdelay $0x4  }
0x9a: {  	v62 =	vshrl.u32 v3, $0x3  }
0x9b: {  	v4 =	vmul.u32 $0x38, v62  }
0x9c: {  	v3 =	vand.u32 $0x7, v3  }
0x9d: {  	v3 =	vor.u32 v3, v4  }
0x9e: {  	v4 =	vperm.xlane v3, v0;
	_ =	sdelay $0x1  }
0x9f: {  	v4 =	vadd.s32 v1, v4;
	_ =	sdelay $0x4  }
0xa0: {  	[tilespmem:s24], [sflag:$0x4] =	stream.indirect_vreg.gather [hbm4b:s3+s2], $0x80, v4, vm0, $0xb8;
	[tilespmem:$0x14680] =	vst v63  }
0xa1: {  	s13 =	simm.s32 $0xB680;
	v3 =	vperm.xlane v3, v2  }
0xa2: {  	[tilespmem:s13], [sflag:$0x4] =	stream.indirect_vreg.gather [hbm4b:s6+s2], $0x80, v4, vm0, $0xb8;
	[tilespmem:$0x14680] =	vst v63  }
0xa3: {  	s25 =	simm.s32 $0xBE80;
	v3 =	vadd.s32 v1, v3  }
0xa4: {  	[tilespmem:s25], [sflag:$0x4] =	stream.indirect_vreg.gather [hbm4b:s7+s2], $0x80, v4, vm0, $0xb8;
	[tilespmem:$0x14680] =	vst v63  }
0xa5: {  	s13 =	simm.s32 $0xC680  }
0xa6: {  	[tilespmem:s13], [sflag:$0x4] =	stream.indirect_vreg.gather [hbm4b:s8+s2], $0x80, v4, vm1, $0xb8;
	[tilespmem:$0x14680] =	vst v63  }
0xa7: {  	s25 =	simm.s32 $0xCA80  }
0xa8: {  	[tilespmem:s25], [sflag:$0x4] =	stream.indirect_vreg.gather [hbm4b:s3+s2], $0x80, v3, vm0, $0xb8;
	[tilespmem:$0x14680] =	vst v63  }
0xa9: {  	s13 =	simm.s32 $0xD280  }
0xaa: {  	[tilespmem:s13], [sflag:$0x4] =	stream.indirect_vreg.gather [hbm4b:s6+s2], $0x80, v3, vm0, $0xb8;
	[tilespmem:$0x14680] =	vst v63  }
0xab: {  	s25 =	simm.s32 $0xDA80  }
0xac: {  	[tilespmem:s25], [sflag:$0x4] =	stream.indirect_vreg.gather [hbm4b:s7+s2], $0x80, v3, vm0, $0xb8;
	[tilespmem:$0x14680] =	vst v63  }
0xad: {  	s13 =	simm.s32 $0xE280  }
0xae: {  	[tilespmem:s13], [sflag:$0x4] =	stream.indirect_vreg.gather [hbm4b:s8+s2], $0x80, v3, vm1, $0xb8;
	[tilespmem:$0x14680] =	vst v63  }
0xaf: {  	s25 =	sadd.s32 $0x30, s9  }
0xb0: {  	[tilespmem:s22], [sflag:$0x4] =	stream.indirect.gather [hbm4b:s4+s21], $0x80, s25, s21, $0xb8;
	[tilespmem:$0x14680] =	vst v63  }
0xb1: {  	_ =	swait.ge [sflag:s17], $0x3800  }
0xb2: {  	[sflag:s17] =	ssyncset.done $0x0  }
0xb3: {  	[sflag:s17] =	ssyncadd.s32 $0xFFFFC800  }
0xb4: {  	_ =	swait.ge [sflag:s17], $0x800  }
0xb5: {  	[sflag:s17] =	ssyncset.done $0x0  }
0xb6: {  	s13 =	sadd.s32 $0x1000, s19;
	[sflag:s17] =	ssyncadd.s32 $0xFFFFF800  }
0xb7: {  	[hbm4b:s13+s14] =	stream.strided.scatter [tilespmem:s16], [sflag:$0x8], $0x3800, s15, s14, $0x38;
	[tilespmem:$0x14680] =	vst v63  }
0xb8: {  	s10 =	simm.s32 @!p0 $0xA;
	s25 =	sadd.s32 $0x200, s20  }
0xb9: {  	[hbm4b:s25+s2] =	stream.linear.scatter [tilespmem:s11], [sflag:$0x8], $0x800, $0x38;
	[tilespmem:$0x14680] =	vst v63  }
0xba: {  	_ =	swait.ge @!p0 [sflag:s10], $0x3800  }
0xbb: {  	[sflag:s10] =	ssyncset.done @!p0 $0x0  }
0xbc: {  	[sflag:s10] =	ssyncadd.s32 @!p0 $0xFFFFC800  }
0xbd: {  	_ =	swait.ge @!p0 [sflag:s10], $0x800  }
0xbe: {  	[sflag:s10] =	ssyncset.done @!p0 $0x0  }
0xbf: {  	[sflag:s10] =	ssyncadd.s32 @!p0 $0xFFFFF800  }
0xc0: {  	v3 =	vld [tilespmem:s9+$0x40];
	_ =	sdelay $0x4  }
0xc1: {  	v63 =	vshrl.u32 v3, $0x3  }
0xc2: {  	v4 =	vmul.u32 $0x38, v63  }
0xc3: {  	v3 =	vand.u32 $0x7, v3  }
0xc4: {  	v3 =	vor.u32 v3, v4  }
0xc5: {  	v4 =	vperm.xlane v3, v0;
	_ =	sdelay $0x1  }
0xc6: {  	v4 =	vadd.s32 v1, v4;
	_ =	sdelay $0x4  }
0xc7: {  	[tilespmem:s18], [sflag:$0x5] =	stream.indirect_vreg.gather [hbm4b:s3+s2], $0x80, v4, vm0, $0xb8;
	[tilespmem:$0x14680] =	vst v63  }
0xc8: {  	s13 =	simm.s32 $0xEE80;
	v3 =	vperm.xlane v3, v2  }
0xc9: {  	[tilespmem:s13], [sflag:$0x5] =	stream.indirect_vreg.gather [hbm4b:s6+s2], $0x80, v4, vm0, $0xb8;
	[tilespmem:$0x14680] =	vst v63  }
0xca: {  	s25 =	simm.s32 $0xF680;
	v3 =	vadd.s32 v1, v3  }
0xcb: {  	[tilespmem:s25], [sflag:$0x5] =	stream.indirect_vreg.gather [hbm4b:s7+s2], $0x80, v4, vm0, $0xb8;
	[tilespmem:$0x14680] =	vst v63  }
0xcc: {  	s13 =	simm.s32 $0xFE80  }
0xcd: {  	[tilespmem:s13], [sflag:$0x5] =	stream.indirect_vreg.gather [hbm4b:s8+s2], $0x80, v4, vm1, $0xb8;
	[tilespmem:$0x14680] =	vst v63  }
0xce: {  	s25 =	simm.s32 $0x10280  }
0xcf: {  	[tilespmem:s25], [sflag:$0x5] =	stream.indirect_vreg.gather [hbm4b:s3+s2], $0x80, v3, vm0, $0xb8;
	[tilespmem:$0x14680] =	vst v63  }
0xd0: {  	s13 =	simm.s32 $0x10A80  }
0xd1: {  	[tilespmem:s13], [sflag:$0x5] =	stream.indirect_vreg.gather [hbm4b:s6+s2], $0x80, v3, vm0, $0xb8;
	[tilespmem:$0x14680] =	vst v63  }
0xd2: {  	s25 =	simm.s32 $0x11280  }
0xd3: {  	[tilespmem:s25], [sflag:$0x5] =	stream.indirect_vreg.gather [hbm4b:s7+s2], $0x80, v3, vm0, $0xb8;
	[tilespmem:$0x14680] =	vst v63  }
0xd4: {  	s13 =	simm.s32 $0x11A80  }
0xd5: {  	[tilespmem:s13], [sflag:$0x5] =	stream.indirect_vreg.gather [hbm4b:s8+s2], $0x80, v3, vm1, $0xb8;
	[tilespmem:$0x14680] =	vst v63  }
0xd6: {  	s25 =	sadd.s32 $0x40, s9  }
0xd7: {  	[tilespmem:s26], [sflag:$0x5] =	stream.indirect.gather [hbm4b:s4+s21], $0x80, s25, s21, $0xb8;
	[tilespmem:$0x14680] =	vst v63  }
0xd8: {  	_ =	swait.ge [sflag:s28], $0x3800  }
0xd9: {  	[sflag:s28] =	ssyncset.done $0x0  }
0xda: {  	[sflag:s28] =	ssyncadd.s32 $0xFFFFC800  }
0xdb: {  	_ =	swait.ge [sflag:s28], $0x800  }
0xdc: {  	[sflag:s28] =	ssyncset.done $0x0  }
0xdd: {  	s13 =	sadd.s32 $0x1800, s19;
	[sflag:s28] =	ssyncadd.s32 $0xFFFFF800  }
0xde: {  	[hbm4b:s13+s14] =	stream.strided.scatter [tilespmem:s24], [sflag:$0x9], $0x3800, s15, s14, $0x38;
	[tilespmem:$0x14680] =	vst v63  }
0xdf: {  	s25 =	sadd.s32 $0x300, s20  }
0xe0: {  	[hbm4b:s25+s2] =	stream.linear.scatter [tilespmem:s22], [sflag:$0x9], $0x800, $0x38;
	[tilespmem:$0x14680] =	vst v63  }
0xe1: {  	_ =	swait.ge [sflag:s29], $0x3800  }
0xe2: {  	[sflag:s29] =	ssyncset.done $0x0  }
0xe3: {  	[sflag:s29] =	ssyncadd.s32 $0xFFFFC800  }
0xe4: {  	_ =	swait.ge [sflag:s29], $0x800  }
0xe5: {  	p0 =	seq.s32 s5, $0x17C0;
	[sflag:s29] =	ssyncset.done $0x0  }
0xe6: {  	s10 =	sshra.s32 @!p0 s5, $0x2;
	[sflag:s29] =	ssyncadd.s32 $0xFFFFF800  }
0xe7: {  	v3 =	vld @!p0 [tilespmem:s10+$0x50];
	_ =	sdelay $0x4  }
0xe8: {  	v4 =	vshrl.u32 @!p0 v3, $0x3  }
0xe9: {  	v4 =	vmul.u32 @!p0 $0x38, v4  }
0xea: {  	v5 =	vlaneseq.u32 @!p0;
	v3 =	vand.u32 @!p0 $0x7, v3  }
0xeb: {  	v6 =	vshrl.u32 @!p0 v5, $0x3;
	v3 =	vor.u32 @!p0 v3, v4;
	v4 =	vand.u32 @!p0 $0x7, v5  }
0xec: {  	v6 =	vmul.u32 @!p0 $0x8, v6;
	v4 =	vperm.xlane @!p0 v3, v4;
	_ =	sdelay $0x1  }
0xed: {  	v4 =	vadd.s32 @!p0 v6, v4;
	_ =	sdelay $0x3  }
0xee: {  	vm2 =	vmmov @!p0 $0xffff;
	s13 =	simm.s32 @!p0 $0x0;
	s25 =	simm.s32 @!p0 $0x680  }
0xef: {  	v5 =	vor.u32 @!p0 $0x8, v5;
	[tilespmem:s25], [sflag:$0x1] =	stream.indirect_vreg.gather @!p0 [hbm4b:s3+s13], $0x80, v4, vm2, $0xb8;
	[tilespmem:$0x14680] =	vst v63  }
0xf0: {  	v3 =	vperm.xlane @!p0 v3, v5;
	s25 =	simm.s32 @!p0 $0xE80  }
0xf1: {  	[tilespmem:s25], [sflag:$0x1] =	stream.indirect_vreg.gather @!p0 [hbm4b:s6+s13], $0x80, v4, vm2, $0xb8;
	[tilespmem:$0x14680] =	vst v63  }
0xf2: {  	v3 =	vadd.s32 @!p0 v6, v3;
	s25 =	simm.s32 @!p0 $0x1680  }
0xf3: {  	[tilespmem:s25], [sflag:$0x1] =	stream.indirect_vreg.gather @!p0 [hbm4b:s7+s13], $0x80, v4, vm2, $0xb8;
	[tilespmem:$0x14680] =	vst v63  }
0xf4: {  	vm3 =	vmmov @!p0 $0xff;
	s25 =	simm.s32 @!p0 $0x1E80  }
0xf5: {  	[tilespmem:s25], [sflag:$0x1] =	stream.indirect_vreg.gather @!p0 [hbm4b:s8+s13], $0x80, v4, vm3, $0xb8;
	[tilespmem:$0x14680] =	vst v63  }
0xf6: {  	s25 =	simm.s32 @!p0 $0x2280  }
0xf7: {  	[tilespmem:s25], [sflag:$0x1] =	stream.indirect_vreg.gather @!p0 [hbm4b:s3+s13], $0x80, v3, vm2, $0xb8;
	[tilespmem:$0x14680] =	vst v63  }
0xf8: {  	s25 =	simm.s32 @!p0 $0x2A80  }
0xf9: {  	[tilespmem:s25], [sflag:$0x1] =	stream.indirect_vreg.gather @!p0 [hbm4b:s6+s13], $0x80, v3, vm2, $0xb8;
	[tilespmem:$0x14680] =	vst v63  }
0xfa: {  	s25 =	simm.s32 @!p0 $0x3280  }
0xfb: {  	[tilespmem:s25], [sflag:$0x1] =	stream.indirect_vreg.gather @!p0 [hbm4b:s7+s13], $0x80, v3, vm2, $0xb8;
	[tilespmem:$0x14680] =	vst v63  }
0xfc: {  	s25 =	simm.s32 @!p0 $0x3A80  }
0xfd: {  	[tilespmem:s25], [sflag:$0x1] =	stream.indirect_vreg.gather @!p0 [hbm4b:s8+s13], $0x80, v3, vm3, $0xb8;
	[tilespmem:$0x14680] =	vst v63  }
0xfe: {  	s10 =	sadd.s32 @!p0 $0x50, s10;
	s13 =	simm.s32 @!p0 $0x10;
	s25 =	simm.s32 @!p0 $0x11E80  }
0xff: {  	[tilespmem:s25], [sflag:$0x1] =	stream.indirect.gather @!p0 [hbm4b:s4+s13], $0x80, s10, s13, $0xb8;
	[tilespmem:$0x14680] =	vst v63  }
0x100: {  	_ =	swait.ge [sflag:s30], $0x3800  }
0x101: {  	[sflag:s30] =	ssyncset.done $0x0  }
0x102: {  	[sflag:s30] =	ssyncadd.s32 $0xFFFFC800  }
0x103: {  	_ =	swait.ge [sflag:s30], $0x800  }
0x104: {  	[sflag:s30] =	ssyncset.done $0x0  }
0x105: {  	s13 =	sadd.s32 $0x2000, s19;
	[sflag:s30] =	ssyncadd.s32 $0xFFFFF800  }
0x106: {  	[hbm4b:s13+s14] =	stream.strided.scatter [tilespmem:s18], [sflag:$0xA], $0x3800, s15, s14, $0x38;
	[tilespmem:$0x14680] =	vst v63  }
0x107: {  	s25 =	sadd.s32 $0x400, s20  }
0x108: {  	[hbm4b:s25+s2] =	stream.linear.scatter [tilespmem:s26], [sflag:$0xA], $0x800, $0x38;
	[tilespmem:$0x14680] =	vst v63  }
0x109: {  	_ =	swait.ge [sflag:s31], $0x3800  }
.Ltmp2:
0x10a: {  	[sflag:s31] =	ssyncset.done $0x0;
	(pc) =	sbr.rel @p0 .LBB2_4-.Ltmp2, $4  }
0x10b: {  	[sflag:s31] =	ssyncadd.s32 $0xFFFFC800  }
0x10c: {  	_ =	swait.ge [sflag:s31], $0x800  }
0x10d: {  	[sflag:s31] =	ssyncset.done $0x0  }
0x10e: {  	[sflag:s31] =	ssyncadd.s32 $0xFFFFF800  }
0x10f: {  	v3 =	vld [tilespmem:s9+$0x60];
	_ =	sdelay $0x4  }
0x110: {  	v4 =	vshrl.u32 v3, $0x3  }
0x111: {  	v4 =	vmul.u32 $0x38, v4  }
0x112: {  	v3 =	vand.u32 $0x7, v3  }
0x113: {  	v3 =	vor.u32 v3, v4  }
0x114: {  	v4 =	vperm.xlane v3, v0;
	_ =	sdelay $0x1  }
0x115: {  	v4 =	vadd.s32 v1, v4;
	_ =	sdelay $0x4  }
0x116: {  	[tilespmem:s23], [sflag:$0x2] =	stream.indirect_vreg.gather [hbm4b:s3+s2], $0x80, v4, vm0, $0xb8;
	[tilespmem:$0x14680] =	vst v63  }
0x117: {  	s10 =	simm.s32 $0x4680;
	v3 =	vperm.xlane v3, v2  }
0x118: {  	[tilespmem:s10], [sflag:$0x2] =	stream.indirect_vreg.gather [hbm4b:s6+s2], $0x80, v4, vm0, $0xb8;
	[tilespmem:$0x14680] =	vst v63  }
0x119: {  	s25 =	simm.s32 $0x4E80;
	v3 =	vadd.s32 v1, v3  }
0x11a: {  	[tilespmem:s25], [sflag:$0x2] =	stream.indirect_vreg.gather [hbm4b:s7+s2], $0x80, v4, vm0, $0xb8;
	[tilespmem:$0x14680] =	vst v63  }
0x11b: {  	s13 =	simm.s32 $0x5680  }
0x11c: {  	[tilespmem:s13], [sflag:$0x2] =	stream.indirect_vreg.gather [hbm4b:s8+s2], $0x80, v4, vm1, $0xb8;
	[tilespmem:$0x14680] =	vst v63  }
0x11d: {  	s25 =	simm.s32 $0x5A80  }
0x11e: {  	[tilespmem:s25], [sflag:$0x2] =	stream.indirect_vreg.gather [hbm4b:s3+s2], $0x80, v3, vm0, $0xb8;
	[tilespmem:$0x14680] =	vst v63  }
0x11f: {  	s13 =	simm.s32 $0x6280  }
0x120: {  	[tilespmem:s13], [sflag:$0x2] =	stream.indirect_vreg.gather [hbm4b:s6+s2], $0x80, v3, vm0, $0xb8;
	[tilespmem:$0x14680] =	vst v63  }
0x121: {  	s25 =	simm.s32 $0x6A80  }
0x122: {  	[tilespmem:s25], [sflag:$0x2] =	stream.indirect_vreg.gather [hbm4b:s7+s2], $0x80, v3, vm0, $0xb8;
	[tilespmem:$0x14680] =	vst v63  }
.Ltmp3:
0x123: {  	_ = 	snop;
	(pc) =	sbr.rel .LBB2_2-.Ltmp3, $4  }
0x124: {  	s5 =	sadd.s32 $0x140, s5;
	s13 =	simm.s32 $0x7280  }
0x125: {  	[tilespmem:s13], [sflag:$0x2] =	stream.indirect_vreg.gather [hbm4b:s8+s2], $0x80, v3, vm1, $0xb8;
	[tilespmem:$0x14680] =	vst v63  }
0x126: {  	s20 =	sadd.s32 $0x500, s20;
	s19 =	sadd.s32 $0x2800, s19;
	s25 =	sadd.s32 $0x60, s9  }
0x127: {  	[tilespmem:s1], [sflag:$0x2] =	stream.indirect.gather [hbm4b:s4+s21], $0x80, s25, s21, $0xb8;
	[tilespmem:$0x14680] =	vst v63  }
.LBB2_5:
0x128: {  	_ =	sfence.sel $0x180000  }
0x129: {  	[bflag:$0x0] =	sbarrier.arrive $0xFFFF  }
0x12a: {  	_ =	strace $0x90000047  }
0x12b: {  	s0 =	stileid.u32;
	[bflag:$0x2] =	sbarrier.arrive $0xFFFF  }
0x12c: {  	p0 =	sne.s32 s0, $0x0;
	s0 =	rddreg [dreg:$0x2]  }
0x12d: {  	s0 =	sadd.s32 @!p0 $0x100000, s0  }
0x12e: {  	[sflag:s0] =	ssyncadd.tile.s32 @!p0 $0x1;
	_ =	shalt  }
.Lfunc_end2:
_tile_overlayer_lowered:
.L_overlay_start_2:
0x12f: {  	(tag) =	ssettag $0x2  }
0x130: {  	s0 =	rddreg [dreg:$0x0];
	s2 =	stileid.u32  }
0x131: {  	s1 =	rddreg [dreg:$0x1];
	p0 =	sne.s32 s2, $0x0  }
0x132: {  	s3 =	rddreg [dreg:$0x2];
	[bflag:$0x3] =	sbarrier.arrive $0xFFFF;
	s2 =	simm.s32 @!p0 $0x1C0B  }
0x133: {  	[timem:s3], [sflag:s2] =	dma.local @!p0 [hbm:s0], s1  }
0x134: {  	s0 =	simm.s32 @!p0 $0xB  }
0x135: {  	_ =	swait.ge @!p0 [sflag:s0], s1  }
0x136: {  	s1 =	ssub.s32 @!p0 $0x0, s1;
	[sflag:s0] =	ssyncset.done @!p0 $0x0  }
0x137: {  	[sflag:s0] =	ssyncadd.s32 @!p0 s1  }
0x138: {  	[bflag:$0x3] =	sbarrier.arrive $0xFFFF  }
0x139: {  	_ =	shalt  }

// kernel: sparse-core-data-format-call.cloned.1.call-start
scs
called_computation_lowered:
.L_overlay_start_0:
0x0: {  	s2 =	sld [smem:$0x3FD9]  }
0x1: {  	s3 =	sld [smem:$0x3FFE];
	_ =	sdelay $0x1  }
0x2: {  	s1 =	srdreg.scid  }
0x3: {  	s0 =	sand.u32 $0x1, s1  }
0x4: {  	s16 =	sshll.u32 s0, $0xA;
	s2 =	sadd.s32 s3, s2  }
0x5: {  	s2 =	sadd.s32 s2, s16  }
0x6: {  	[smem:$0x3FC5] =	sst s2  }
0x7: {  	_ = 	snop  }
0x8: {  	s2 =	sld [smem:$0x3FD0];
	_ =	sdelay $0x2  }
0x9: {  	s17 =	simm.s32 $0xB;
	s4 =	simm.s32 $0x10  }
0xa: {  	[smem:s4], [sflag:s17] =	dma.local [hbm:s2], $0x1  }
0xb: {  	_ =	swait.eq [sflag:s17], $0x1  }
0xc: {  	[sflag:s17] =	ssyncset.done $0x0  }
0xd: {  	[sflag:s17] =	ssyncadd.s32 $0xFFFFFFFF  }
0xe: {  	s18 =	sld [smem:$0x10];
	(tm) =	ssettm $0x1  }
0xf: {  	s19 =	sld [smem:$0x3FFB];
	_ =	sdelay $0x3  }
0x10: {  	_ =	strace s19  }
0x11: {  	s2 =	sld [smem:$0x3FFC];
	_ =	sdelay $0x3  }
0x12: {  	_ =	strace s2  }
0x13: {  	s2 =	sld [smem:$0x3FFD];
	_ =	sdelay $0x3  }
0x14: {  	_ =	strace s2  }
0x15: {  	_ =	strace $0x8FFFFFFF  }
0x16: {  	s20 =	sld [smem:$0x3FDB];
	_ =	sdelay $0x1  }
0x17: {  	s21 =	simm.s32 $_scs_section_size  }
0x18: {  	s5 =	simm.s32 $_size__tile_overlayer_lowered;
	s6 =	simm.s32 $_tile_overlayer_lowered  }
0x19: {  	s7 =	simm.s32 $0x1BFF;
	s22 =	sshll.u32 s6, $0x1;
	s4 =	sadd.s32 s21, s20  }
0x1a: {  	s23 =	simm.s32 $0x0;
	s5 =	sshll.u32 s5, $0x1;
	s6 =	sadd.s32 s22, s4  }
0x1b: {  	[timem:s23], [sflag:s7] =	dma.local [hbm:s6], s5  }
0x1c: {  	_ =	swait.ge [sflag:s7], s5  }
0x1d: {  	s5 =	ssub.s32 $0x0, s5;
	[sflag:s7] =	ssyncset.done $0x0  }
0x1e: {  	[sflag:s7] =	ssyncadd.s32 s5;
	_ =	sdelay $0x1  }
0x1f: {  	s24 =	simm.s32 $0x1B8B  }
0x20: {  	_ =	swait.ge [sflag:s24], $0x1  }
0x21: {  	[sflag:s24] =	ssyncset.done $0x0  }
0x22: {  	[sflag:s24] =	ssyncadd.s32 $0xFFFFFFFF  }
0x23: {  	s5 =	sld [smem:$0x0]  }
0x24: {  	s6 =	sand.u32 $0xFFFFFFFE, s1  }
0x25: {  	p0 =	sne.s32 s1, s6  }
0x26: {  	s6 =	sshll.u32 @p0 s6, $0xE  }
0x27: {  	s6 =	sadd.s32 @p0 $0x11B8D, s6;
	s7 =	sshll.u32 @p0 s5, $0x11  }
0x28: {  	s6 =	sor.u32 @p0 s7, s6  }
0x29: {  	[sflag:s6] =	ssyncadd.remote.s32 @p0 $0x1;
	_ =	sdelay $0x1  }
0x2a: {  	s6 =	simm.s32 @p0 $0x1B8D  }
0x2b: {  	_ =	swait.eq @p0 [sflag:s6], $0x1  }
0x2c: {  	[sflag:s6] =	ssyncadd.s32 @p0 $0xFFFFFFFF  }
0x2d: {  	s7 =	sshll.u32 @!p0 s1, $0xE  }
0x2e: {  	s7 =	sor.u32 @!p0 $0x4000, s7;
	s6 =	simm.s32 @!p0 $0x1B8D  }
0x2f: {  	s5 =	sshll.u32 @!p0 s5, $0x11;
	s7 =	sadd.s32 @!p0 $0x11B8D, s7;
	_ =	swait.eq @!p0 [sflag:s6], $0x1  }
0x30: {  	s5 =	sor.u32 @!p0 s5, s7;
	[sflag:s6] =	ssyncadd.s32 @!p0 $0xFFFFFFFF  }
0x31: {  	s26 =	simm.s32 $0x1B8E;
	s25 =	sld [smem:$0x3FFE];
	[sflag:s5] =	ssyncadd.remote.s32 @!p0 $0x1  }
0x32: {  	s27 =	simm.s32 $execute0_lowered;
	[smem:$0x3FD2] =	sst s26  }
0x33: {  	s6 =	sshll.u32 s27, $0x1;
	_ =	strace $0x8000004C;
	[dreg:$0x1] =	wrdreg $0xFFFFFFFF  }
0x34: {  	s28 =	simm.s32 $_size_execute0_lowered;
	s4 =	sadd.s32 s4, s6;
	[dreg:$0x0] =	wrdreg $0x0  }
0x35: {  	s6 =	sshll.u32 s28, $0x1;
	[dreg:$0x2] =	wrdreg s4  }
0x36: {  	[dreg:$0x3] =	wrdreg s6  }
0x37: {  	[dreg:$0x4] =	wrdreg $0xC0  }
0x38: {  	_ =	task [dreg:s23], $0x5FFFF  }
0x39: {  	[dreg:$0x1] =	wrdreg $0xFFFFFFFF  }
0x3a: {  	[dreg:$0x0] =	wrdreg $0x60  }
0x3b: {  	[dreg:$0x2] =	wrdreg s25  }
0x3c: {  	[dreg:$0x3] =	wrdreg s18  }
0x3d: {  	[dreg:$0x4] =	wrdreg $0xA  }
0x3e: {  	_ =	task.clear_ibuf [dreg:s23], $0x5FFFF;
	_ =	strace $0x9000004C  }
0x3f: {  	s29 =	simm.s32 $0xA;
	_ =	strace $0x8000004E  }
0x40: {  	_ =	swait.ge [sflag:s29], $0x1  }
0x41: {  	[sflag:s29] =	ssyncadd.s32 $0xFFFFFFFF  }
0x42: {  	_ =	strace $0x9000004E  }
0x43: {  	_ =	sfence  }
0x44: {  	s30 =	sld [smem:$0x0];
	_ =	sdelay $0x2  }
0x45: {  	s31 =	sshll.u32 s1, $0xD;
	s1 =	sshrl.u32 s1, $0x2  }
0x46: {  	s4 =	sand.u32 $0x4000, s31;
	s1 =	sadd.s32 s1, s30  }
0x47: {  	s0 =	sor.u32 s4, s0;
	s1 =	sshll.u32 s1, $0x11  }
0x48: {  	s0 =	sor.u32 s1, s0  }
0x49: {  	s0 =	sadd.s32 $0x8F2B, s0  }
0x4a: {  	[sflag:s0] =	ssyncadd.remote.s32 $0x1  }
0x4b: {  	_ =	sfence.sel $0xFFFF  }
0x4c: {  	[dreg:$0x0] =	wrdreg $0xFFFFFFFF;
	(pc) =	sbr.abs _section_cstart, $3  }
0x4d: {  	[dreg:$0x1] =	wrdreg $0xFFFFFFFF  }
0x4e: {  	_ =	task.clear_ibuf [dreg:s23], $0x2FFFF;
	_ =	strace $0x9FFFFFFF  }
0x4f: {  	(tm) =	ssettm $0x7FFFFFFF  }
tec
execute0_lowered:
.L_overlay_start_1:
0x0: {  	(tag) =	ssettag $0x1  }
0x1: {  	s4 =	rddreg [dreg:$0x0]  }
0x2: {  	s2 =	rddreg [dreg:$0x1];
	s1 =	stileid.u32  }
0x3: {  	s3 =	srdreg.scid;
	s0 =	rddreg [dreg:$0x2];
	_ =	strace $0x8000004D  }
0x4: {  	s10 =	simm.s32 $0x2;
	s14 =	simm.s32 $0x0;
	s16 =	simm.s32 $0x0  }
0x5: {  	s12 =	simm.s32 $0x0;
	s15 =	simm.s32 $0x0;
	s3 =	sshll.u32 s3, $0x4  }
0x6: {  	s5 =	sshll.u32 s1, $0x7;
	s4 =	sadd.s32 $0x22200, s4;
	s6 =	sand.u32 $0x10, s3  }
0x7: {  	s3 =	sand.u32 $0x180, s5;
	s5 =	simm.s32 $0x1;
	s8 =	sor.u32 s1, s6  }
0x8: {  	s31 =	ssub.s32 $0xC800, s3;
	[sflag:s5] =	ssyncpa.u1 $0x0;
	s13 =	smov.u32 s3  }
.Ltmp0:
0x9: {  	s7 =	sshll.u32 s8, $0x5;
	s9 =	sand.u32 $0x180, s31;
	(pc) =	sbr.rel .LBB1_1-.Ltmp0, $4  }
0xa: {  	s11 =	sshrl.u32 s31, $0x9;
	p0 =	sne.s32 s9, $0x0;
	s9 =	simm.s32 $0x1  }
0xb: {  	[sflag:s10] =	ssyncpa.u1 $0x0;
	s8 =	sshll.u32 s8, $0x8;
	s9 =	simm.s32 @!p0 $0x0  }
0xc: {  	s10 =	simm.s32 $0x64000;
	s6 =	sand.u32 $0x380, s7;
	s7 =	sadd.s32 s9, s11  }
0xd: {  	p0 =	por $0x0, $0x0;
	s11 =	simm.s32 $0x0;
	s9 =	sadd.s32 $0x1, s7  }
.LBB1_4:
0xe: {  	s22 =	sshrl.u32 s11, $0x3  }
0xf: {  	s23 =	sshll.u32 s12, $0x3;
	s24 =	sand.u32 $0x7F, s12;
	s22 =	smul.u32 $0x64000, s22  }
0x10: {  	v5 =	vld [tilespmem:s18+$0xFFFFFFD0];
	s21 =	sshra.s32 s21, $0x2;
	s25 =	sshra.s32 s12, $0x1F;
	s23 =	sand.u32 $0xFFFFFC00, s23  }
0x11: {  	[tilespmem:s20+$0x2040 ss:$0x81] =	vst.msk $0xffff, v4;
	v58 =	vld [tilespmem:s18+$0xFFFFFFE0];
	p1 =	sgt.s32 s12, $0xC780;
	s25 =	sand.u32 s25, s12;
	s22 =	sadd.s32 s23, s22  }
0x12: {  	[tilespmem:s20+$0x2850 ss:$0x81] =	vst.msk $0xffff, v3;
	v59 =	vld [tilespmem:s18+$0xFFFFFFF0];
	s23 =	sor.u32 s24, s22;
	s22 =	smulhi.u32 $0x51EB851F, s22;
	s24 =	smov.u32 s12  }
0x13: {  	[tilespmem:s20+$0x3060 ss:$0x81] =	vst.msk $0xffff, v2;
	v60 =	vld [tilespmem:s18+$0x0];
	s19 =	sadd.s32 s21, s19;
	s26 =	smulhi.u32 $0x51EB851F, s23;
	s24 =	simm.s32 @!p1 $0xC780  }
0x14: {  	[tilespmem:s20+$0x0 ss:$0x81] =	vst.msk $0xffff, v0;
	v61 =	vld [tilespmem:s18+$0x10];
	p1 =	sgt.s32 s11, $0x368;
	s28 =	sshrl.u32 s22, $0xE;
	s29 =	ssub.s32 s24, s25  }
0x15: {  	[tilespmem:s19+$0x3870 ss:$0x81] =	vst.msk $0xffff, v1;
	s30 =	sshrl.u32 s26, $0xE;
	s31 =	smulhi.u32 $0x418938, s28;
	s25 =	sadd.s32 $0xFFFF3880, s29  }
0x16: {  	v62 =	vld [tilespmem:s18+$0x20];
	[tilespmem:s19+$0x810 ss:$0x81] =	vst.msk $0xffff, v5;
	s22 =	smul.u32 $0xC800, s30;
	p2 =	sgt.s32 s25, $0x7F;
	s25 =	smov.u32 s11  }
0x17: {  	v63 =	vld [tilespmem:s18+$0xFFFFFFC0];
	[tilespmem:s19+$0x1020 ss:$0x81] =	vst.msk $0xffff, v58;
	s21 =	ssub.s32 $0xC800, s29;
	s25 =	simm.s32 @!p1 $0x368;
	s26 =	smul.u32 $0x3E8, s31  }
0x18: {  	[tilespmem:s19+$0x1830 ss:$0x81] =	vst.msk $0xffff, v59;
	s21 =	simm.s32 @p2 $0x0;
	s27 =	ssub.s32 $0x3E8, s25  }
0x19: {  	[tilespmem:s19+$0x2040 ss:$0x81] =	vst.msk $0xffff, v60;
	s22 =	ssub.s32 s23, s22;
	s18 =	ssub.s32 s28, s26;
	s28 =	smul.u32 s27, s21  }
0x1a: {  	[tilespmem:s19+$0x2850 ss:$0x81] =	vst.msk $0xffff, v61;
	s29 =	sshrl.u32 s22, $0x3;
	s22 =	sand.u32 $0x7, s22;
	s18 =	smul.u32 $0x1900, s18  }
0x1b: {  	[tilespmem:s19+$0x3060 ss:$0x81] =	vst.msk $0xffff, v62;
	s21 =	sadd.s32 s2, s29;
	s22 =	sshll.u32 s22, $0x12  }
0x1c: {  	[tilespmem:s19+$0x0 ss:$0x81] =	vst.msk $0xffff, v63;
	s30 =	sand.u32 $0x3FFFFFF8, s28;
	s31 =	sor.u32 $0x400, s22;
	s18 =	sadd.s32 s18, s21  }
0x1d: {  	[hbm4b:s18+s31] =	stream.strided.scatter [tilespmem:s17], [sflag:$0x2], s30, s10, s31, $0x20;
	[tilespmem:$0x10100] =	vst v63  }
.LBB1_5:
0x1e: {  	p1 =	slt.u32 s15, $0x2  }
0x1f: {  	p2 =	sgt.s32 @!p1 s16, $0xC780  }
0x20: {  	s17 =	smov.u32 s16;
	s18 =	sshra.s32 @!p1 s16, $0x1F;
	p2 =	por !p2, p1  }
0x21: {  	s16 =	sand.u32 @!p1 s18, s16;
	s17 =	simm.s32 @p2 $0xC780  }
0x22: {  	s16 =	ssub.s32 @!p1 s17, s16  }
0x23: {  	p2 =	sgt.s32 @!p1 s14, $0x368;
	s17 =	sadd.s32 @!p1 $0xFFFF3880, s16  }
0x24: {  	s18 =	sadd.s32 $0x200, s13;
	p2 =	por !p2, p1;
	p3 =	sgt.s32 @!p1 s17, $0x7F  }
0x25: {  	s14 =	simm.s32 @p2 $0x368;
	s16 =	ssub.s32 @!p1 $0xC800, s16;
	p2 =	por !p3, p1  }
0x26: {  	s14 =	ssub.s32 @!p1 $0x3E8, s14;
	s16 =	simm.s32 @!p2 $0x0;
	p2 =	sgt.s32 s18, $0xC7FF  }
0x27: {  	s14 =	smul.u32 @!p1 s14, s16;
	s18 =	smov.u32 @p2 s3;
	p2 =	sne.s32 s15, s9  }
.Ltmp1:
0x28: {  	s20 =	sadd.s32 $0x1, s15;
	p0 =	por !p0, !p0;
	(pc) =	sbr.rel @!p2 .LBB1_6-.Ltmp1, $4  }
0x29: {  	s17 =	simm.s32 @!p1 $0x2;
	s16 =	smov.u32 s12;
	s14 =	sand.u32 @!p1 $0x3FFFFFFF, s14  }
0x2a: {  	s12 =	smov.u32 s13;
	s15 =	smov.u32 s20;
	_ =	swait.ge @!p1 [sflag:s17], s14  }
0x2b: {  	s13 =	smov.u32 s18;
	s19 =	ssub.s32 @!p1 $0x0, s14;
	[sflag:s17] =	ssyncset.done @!p1 $0x0  }
0x2c: {  	s14 =	smov.u32 s11;
	s11 =	smov.u32 s6;
	[sflag:s17] =	ssyncadd.s32 @!p1 s19  }
.LBB1_1:
0x2d: {  	p1 =	sge.u32 s15, s7  }
0x2e: {  	s17 =	sshll.u32 @!p1 s13, $0xA  }
0x2f: {  	s17 =	sand.u32 @!p1 $0xFFFFE000, s17  }
0x30: {  	s17 =	sor.u32 @!p1 s8, s17  }
0x31: {  	s17 =	sshrl.u32 @!p1 s17, $0xA  }
0x32: {  	s18 =	smulhi.u32 @!p1 $0x28F5C3, s17;
	_ =	sdelay $0x1  }
0x33: {  	s18 =	sshrl.u32 @!p1 s18, $0x5  }
0x34: {  	s18 =	smul.u32 @!p1 $0xC800, s18  }
0x35: {  	s31 =	sadd.s32 $0xFFFFFFFF, s15;
	s19 =	sxor.u32 @!p1 $0xFFFFFFFF, s15;
	s20 =	sshll.u32 @!p1 s13, $0x4  }
0x36: {  	s19 =	sshll.u32 @!p1 s19, $0xE;
	s17 =	ssub.s32 @!p1 s17, s18;
	s18 =	sand.u32 @!p1 $0x70, s20  }
0x37: {  	s19 =	sand.u32 @!p1 $0x4000, s19;
	s17 =	sshll.u32 @!p1 s17, $0x7;
	s18 =	sadd.s32 @!p1 s4, s18  }
0x38: {  	s20 =	simm.s32 @!p1 $0x2000;
	s17 =	sadd.s32 @!p1 s17, s18;
	s18 =	simm.s32 @!p1 $0x400  }
0x39: {  	[tilespmem:s19], [sflag:$0x1] =	stream.strided.gather @!p1 [hbm4b:s17+s18], $0x4000, s20, s18, $0x38;
	[tilespmem:$0x10100] =	vst v63  }
0x3a: {  	p1 =	sge.u32 s31, s7  }
.Ltmp2:
0x3b: {  	_ = 	snop;
	(pc) =	sbr.rel @p1 .LBB1_5-.Ltmp2, $1  }
0x3c: {  	_ =	sdelay $0x3  }
0x3d: {  	s17 =	simm.s32 $0x1  }
0x3e: {  	_ =	swait.ge [sflag:s5], $0x4000;
	s17 =	simm.s32 @!p0 $0x0  }
0x3f: {  	[sflag:s5] =	ssyncset.done $0x0;
	s18 =	sshll.u32 s17, $0xE  }
0x40: {  	[sflag:s5] =	ssyncadd.s32 $0xFFFFC000;
	s18 =	sor.u32 $0x40, s18  }
0x41: {  	s17 =	smul.u32 $0x10200, s17;
	v0 =	vld [tilespmem:s18+$0x30]  }
0x42: {  	v1 =	vld [tilespmem:s18+$0xFFFFFFD0]  }
0x43: {  	s17 =	sshrl.u32 s17, $0x2;
	v5 =	vld [tilespmem:s18+$0xFFFFFFE0]  }
0x44: {  	v6 =	vld [tilespmem:s18+$0xFFFFFFF0];
	s19 =	sor.u32 $0x8000, s17  }
0x45: {  	s31 =	sand.u32 $0x1, s15;
	v4 =	vld [tilespmem:s18+$0x0];
	s20 =	sadd.s32 $0x0, s19  }
0x46: {  	v3 =	vld [tilespmem:s18+$0x10];
	s17 =	smul.u32 $0x10200, s31;
	[tilespmem:s20+$0x3870 ss:$0x81] =	vst.msk $0xffff, v0  }
0x47: {  	v2 =	vld [tilespmem:s18+$0x20];
	[tilespmem:s20+$0x810 ss:$0x81] =	vst.msk $0xffff, v1  }
0x48: {  	s17 =	sshrl.u32 s17, $0x2;
	v0 =	vld [tilespmem:s18+$0xFFFFFFC0];
	[tilespmem:s20+$0x1020 ss:$0x81] =	vst.msk $0xffff, v5;
	s18 =	sadd.s32 $0x80, s18  }
0x49: {  	s21 =	simm.s32 $0x4;
	s22 =	simm.s32 $0x8;
	s17 =	sor.u32 $0x8000, s17;
	[tilespmem:s20+$0x1830 ss:$0x81] =	vst.msk $0xffff, v6;
	v1 =	vld [tilespmem:s18+$0x30]  }
.LBB1_3:
0x4a: {  	p1 =	sne.s32 s22, $0x1FC;
	v5 =	vld [tilespmem:s18+$0xFFFFFFD0];
	[tilespmem:s20+$0x2040 ss:$0x81] =	vst.msk $0xffff, v4  }
0x4b: {  	v6 =	vld [tilespmem:s18+$0xFFFFFFE0];
	[tilespmem:s20+$0x2850 ss:$0x81] =	vst.msk $0xffff, v3  }
0x4c: {  	s23 =	sshra.s32 s21, $0x2;
	s21 =	smov.u32 s22;
	v7 =	vld [tilespmem:s18+$0xFFFFFFF0];
	[tilespmem:s20+$0x3060 ss:$0x81] =	vst.msk $0xffff, v2  }
.Ltmp3:
0x4d: {  	v4 =	vld [tilespmem:s18+$0x0];
	[tilespmem:s20+$0x0 ss:$0x81] =	vst.msk $0xffff, v0;
	s20 =	sadd.s32 s23, s19;
	(pc) =	sbr.rel @p1 .LBB1_3-.Ltmp3, $4  }
0x4e: {  	v3 =	vld [tilespmem:s18+$0x10];
	[tilespmem:s20+$0x3870 ss:$0x81] =	vst.msk $0xffff, v1  }
0x4f: {  	[tilespmem:s20+$0x810 ss:$0x81] =	vst.msk $0xffff, v5;
	v2 =	vld [tilespmem:s18+$0x20]  }
0x50: {  	v0 =	vld [tilespmem:s18+$0xFFFFFFC0];
	[tilespmem:s20+$0x1020 ss:$0x81] =	vst.msk $0xffff, v6;
	s18 =	sadd.s32 $0x80, s18  }
0x51: {  	s22 =	sadd.s32 $0x4, s22;
	v1 =	vld [tilespmem:s18+$0x30];
	[tilespmem:s20+$0x1830 ss:$0x81] =	vst.msk $0xffff, v7  }
.Ltmp4:
0x52: {  	_ = 	snop;
	(pc) =	sbr.rel .LBB1_4-.Ltmp4, $1  }
0x53: {  	_ =	sdelay $0x3  }
.LBB1_6:
0x54: {  	_ =	sfence.sel $0x180000  }
0x55: {  	s2 =	simm.s32 $0x1;
	[bflag:$0x0] =	sbarrier.arrive $0xFFFF  }
0x56: {  	s31 =	simm.s32 $0x2;
	[sflag:s2] =	ssyncpa.u1 $0x1  }
0x57: {  	[sflag:s31] =	ssyncpa.u1 $0x1  }
0x58: {  	p0 =	sne.s32 s1, $0x0;
	_ =	strace $0x9000004D  }
0x59: {  	s0 =	sadd.s32 @!p0 $0x100000, s0;
	[bflag:$0x2] =	sbarrier.arrive $0xFFFF  }
0x5a: {  	[sflag:s0] =	ssyncadd.tile.s32 @!p0 $0x1;
	_ =	shalt  }
.Lfunc_end1:
_tile_overlayer_lowered:
.L_overlay_start_2:
0x5b: {  	(tag) =	ssettag $0x2  }
0x5c: {  	s0 =	rddreg [dreg:$0x0];
	s2 =	stileid.u32  }
0x5d: {  	s1 =	rddreg [dreg:$0x1];
	p0 =	sne.s32 s2, $0x0  }
0x5e: {  	s3 =	rddreg [dreg:$0x2];
	[bflag:$0x3] =	sbarrier.arrive $0xFFFF;
	s2 =	simm.s32 @!p0 $0x1C01  }
0x5f: {  	[timem:s3], [sflag:s2] =	dma.local @!p0 [hbm:s0], s1  }
0x60: {  	s0 =	simm.s32 @!p0 $0x1  }
0x61: {  	_ =	swait.ge @!p0 [sflag:s0], s1  }
0x62: {  	s1 =	ssub.s32 @!p0 $0x0, s1;
	[sflag:s0] =	ssyncset.done @!p0 $0x0  }
0x63: {  	[sflag:s0] =	ssyncadd.s32 @!p0 s1  }
0x64: {  	[bflag:$0x3] =	sbarrier.arrive $0xFFFF  }
0x65: {  	_ =	shalt  }

</sc_bundles>
